<compile_context>
chip_gen: v7x
topology: tpu7x:2x2x1
jax: 0.10.2.dev20260603
libtpu: 0.0.44.dev20260713+nightly
codegen_flags: <defaults>
</compile_context>

<pallas_src>
import functools

import jax
import jax.numpy as jnp
from jax import lax
from jax.experimental import pallas as pl
from jax.experimental.pallas import tpu as pltpu
from jax.experimental.pallas import tpu_sc as plsc

B = 16384
D = 13
C = 26
V = 100001
F = 32
L1, L2, L3 = 512, 256, 128
CV = C * V

NC, NS = 2, 16
NW = NC * NS
R = B * C
ROWS_PER_W = R // NW
CH = 128
NCH = ROWS_PER_W // CH
VP = V + 7
TBL_ROWS = C * VP

_sc_mesh = plsc.VectorSubcoreMesh(core_axis_name="c", subcore_axis_name="s")


@functools.partial(
    pl.kernel,
    mesh=_sc_mesh,
    out_type=jax.ShapeDtypeStruct((R, F), jnp.float32),
    scratch_types=[
        pltpu.VMEM((NCH, CH), jnp.int32),
        pltpu.VMEM((CH, 128), jnp.float32),
        pltpu.VMEM((CH, 128), jnp.float32),
        pltpu.VMEM((CH, F), jnp.float32),
        pltpu.VMEM((CH, F), jnp.float32),
        pltpu.SemaphoreType.DMA,
        pltpu.SemaphoreType.DMA,
    ],
    compiler_params=pltpu.CompilerParams(needs_layout_passes=False),
)
def _sc_gather(tbl_hbm, idxq_hbm, out_hbm,
               idx_v, rows_a, rows_b, pk_a, pk_b, sem_a, sem_b):
    wid = lax.axis_index("s") * NC + lax.axis_index("c")
    base = wid * ROWS_PER_W
    pltpu.sync_copy(idxq_hbm.at[wid], idx_v)

    lanes = jnp.arange(16, dtype=jnp.int32)

    def repack(j, rows_buf, pk_buf):
        def group(rr, carry):
            rowv = lanes + rr * 16
            for cc in range(F):
                x = plsc.load_gather(rows_buf, [rowv, lanes * 0 + cc])
                plsc.store_scatter(pk_buf, [rowv, lanes * 0 + cc], x)
            return carry
        lax.fori_loop(0, CH // 16, group, 0)

    pltpu.async_copy(tbl_hbm.at[idx_v.at[0]], rows_a, sem_a)

    def step(g, carry):
        for h, (rows_buf, pk_buf, sem, osem) in enumerate(
                ((rows_a, pk_a, sem_a, sem_b), (rows_b, pk_b, sem_b, sem_a))):
            j = 2 * g + h

            @pl.when(j + 1 < NCH)
            def _():
                nxt = (rows_b, rows_a)[h]
                pltpu.async_copy(tbl_hbm.at[idx_v.at[j + 1]], nxt, osem)

            pltpu.make_async_copy(tbl_hbm.at[idx_v.at[j]], rows_buf, sem).wait()
            repack(j, rows_buf, pk_buf)
            pltpu.sync_copy(pk_buf, out_hbm.at[pl.ds(base + j * CH, CH)])
        return carry

    lax.fori_loop(0, NCH // 2, step, 0)


BLK = 512


def _mlp_body(xd_ref, emb_ref, W1d_ref, W1e_ref, b1_ref, W2_ref, b2_ref,
              W3_ref, b3_ref, Wlt_ref, bl_ref, o_ref):
    h = jnp.dot(emb_ref[...], W1e_ref[...], preferred_element_type=jnp.float32)
    h += jnp.dot(xd_ref[...], W1d_ref[...], preferred_element_type=jnp.float32)
    h = jnp.maximum(h + b1_ref[...], 0.0)
    h = jnp.maximum(
        jnp.dot(h, W2_ref[...], preferred_element_type=jnp.float32) + b2_ref[...], 0.0)
    h = jnp.maximum(
        jnp.dot(h, W3_ref[...], preferred_element_type=jnp.float32) + b3_ref[...], 0.0)
    o = jnp.sum(h * Wlt_ref[...], axis=1, keepdims=True) + bl_ref[...]
    o_ref[...] = jax.nn.sigmoid(o)


def _mlp(xd_p, emb, W1d, W1e, b1, W2, b2, W3, b3, Wlt, bl):
    rep = lambda shape: pl.BlockSpec(shape, lambda i: (0, 0))
    return pl.pallas_call(
        _mlp_body,
        grid=(B // BLK,),
        in_specs=[
            pl.BlockSpec((BLK, 16), lambda i: (i, 0)),
            pl.BlockSpec((BLK, C * F), lambda i: (i, 0)),
            rep((16, L1)),
            rep((C * F, L1)),
            rep((1, L1)),
            rep((L1, L2)),
            rep((1, L2)),
            rep((L2, L3)),
            rep((1, L3)),
            rep((1, L3)),
            rep((1, 1)),
        ],
        out_specs=pl.BlockSpec((BLK, 1), lambda i: (i, 0)),
        out_shape=jax.ShapeDtypeStruct((B, 1), jnp.float32),
    )(xd_p, emb, W1d, W1e, b1, W2, b2, W3, b3, Wlt, bl)


def kernel(xd, xc, tables, W1, b1, W2, b2, W3, b3, Wl, bl):
    tblp = jnp.pad(tables, ((0, 0), (0, 7), (0, 96))).reshape(TBL_ROWS, 128)
    flat = xc.astype(jnp.int32) + jnp.arange(C, dtype=jnp.int32)[None, :] * VP
    idxq3 = flat.reshape(NW, NCH, CH)
    rows = _sc_gather(tblp, idxq3)
    emb = rows.reshape(B, C * F)

    xd_p = jnp.pad(xd, ((0, 0), (0, 3)))
    W1d = jnp.pad(W1[:D], ((0, 3), (0, 0)))
    W1e = W1[D:]
    return _mlp(xd_p, emb, W1d, W1e, b1.reshape(1, L1), W2, b2.reshape(1, L2),
                W3, b3.reshape(1, L3), Wl.reshape(1, L3), bl.reshape(1, 1))

# --- scband reference (transcript-rebuilt; emitter-appended) ---
"""Pipeline reference for scband-deep-ctr-19868518712023 (READ-ONLY COPY).

The authoritative reference and input builder live on the scoring server;
editing this copy changes nothing except your own understanding.
"""

import jax, jax.numpy as jnp
import numpy as np

B = 16384
D = 13
C = 26
V = 100001  # size_embs[i] + 1
F = 32
L1, L2, L3 = 512, 256, 128
IN = D + C * F  # 845


def setup_inputs(seed: int = 0) -> dict:
    key = jax.random.key(seed)
    ks = jax.random.split(key, 12)
    xd = jax.random.normal(ks[0], (B, D), dtype=jnp.float32)
    xc = jax.random.randint(ks[1], (B, C), 0, 100000, dtype=jnp.int32)
    tables = jax.random.normal(ks[2], (C, V, F), dtype=jnp.float32) * 0.05
    # lecun-normal-ish dense weights, biases filled with 0.1 (as in torch init)
    W1 = jax.random.normal(ks[3], (IN, L1), dtype=jnp.float32) * (1.0 / np.sqrt(IN))
    b1 = jnp.full((L1,), 0.1, dtype=jnp.float32)
    W2 = jax.random.normal(ks[4], (L1, L2), dtype=jnp.float32) * (1.0 / np.sqrt(L1))
    b2 = jnp.full((L2,), 0.1, dtype=jnp.float32)
    W3 = jax.random.normal(ks[5], (L2, L3), dtype=jnp.float32) * (1.0 / np.sqrt(L2))
    b3 = jnp.full((L3,), 0.1, dtype=jnp.float32)
    Wl = jax.random.normal(ks[6], (L3, 1), dtype=jnp.float32) * (1.0 / np.sqrt(L3))
    bl = jnp.full((1,), 0.1, dtype=jnp.float32)
    return {"xd": xd, "xc": xc, "tables": tables, "W1": W1, "b1": b1,
            "W2": W2, "b2": b2, "W3": W3, "b3": b3, "Wl": Wl, "bl": bl}


def reference(xd, xc, tables, W1, b1, W2, b2, W3, b3, Wl, bl):
    # per-field embedding gather: tables[i][xc[:, i]] for i in 0..25
    emb = jax.vmap(lambda tab, idx: jnp.take(tab, idx, axis=0))(tables, xc.T)  # [C, B, F]
    emb = jnp.transpose(emb, (1, 0, 2)).reshape(emb.shape[1], C * F)  # [B, C*F]
    x = jnp.concatenate([xd.astype(jnp.float32), emb], axis=1)  # [B, D + C*F]
    x = jax.nn.relu(x @ W1 + b1)
    x = jax.nn.relu(x @ W2 + b2)
    x = jax.nn.relu(x @ W3 + b3)
    out = jax.nn.sigmoid(x @ Wl + bl)
    return out

if __name__ == "__main__":
    import jax
    _d = setup_inputs()
    print(jax.jit(kernel)(*tuple(_d.values())))

</pallas_src>

<mosaic_0001>
#map = affine_map<(d0, d1) -> (0, 0)>
#map1 = affine_map<(d0, d1) -> (0, 0, 0)>
module attributes {stable_mosaic.version = 14 : i64} {
  func.func @_sc_gather(%arg0: i32, %arg1: i32, %arg2: memref<2600208x128xf32, #tpu.memory_space<hbm>>, %arg3: memref<32x104x128xi32, #tpu.memory_space<hbm>>, %arg4: memref<425984x32xf32, #tpu.memory_space<hbm>>, %arg5: memref<104x128xi32, #tpu.memory_space<vmem>>, %arg6: memref<128x128xf32, #tpu.memory_space<vmem>>, %arg7: memref<128x128xf32, #tpu.memory_space<vmem>>, %arg8: memref<128x32xf32, #tpu.memory_space<vmem>>, %arg9: memref<128x32xf32, #tpu.memory_space<vmem>>, %arg10: memref<!tpu.dma_semaphore, #tpu.memory_space<semaphore_mem>>, %arg11: memref<!tpu.dma_semaphore, #tpu.memory_space<semaphore_mem>>) attributes {dimension_semantics = [#tpu.dimension_semantics<core_parallel>, #tpu.dimension_semantics<subcore_parallel>], iteration_bounds = array<i64: 2, 16>, scalar_prefetch = 0 : i64, scratch_operands = 7 : i64, tpu.core_type = #tpu.core_type<sc_vector_subcore>, window_params = [{transform_indices = #map}, {transform_indices = #map1}, {transform_indices = #map}]} {
    %mul3A = arith.constant 2 : i32
    %mul3A_0 = arith.muli %arg1, %mul3A : i32
    %add3A = arith.addi %mul3A_0, %arg0 : i32
    %mul3A_1 = arith.constant 13312 : i32
    %mul3A_2 = arith.muli %add3A, %mul3A_1 : i32
    "tpu.region"() ({
      %run_scoped3A = tpu.sem_alloc : memref<!tpu.dma_semaphore, #tpu.memory_space<semaphore_mem>>
      %dma_start3A_14 = arith.constant 0 : i32
      %dma_start3A_15 = arith.constant 0 : i32
      %dma_start3A_16 = tpu.memref_slice %arg3[%add3A, %dma_start3A_14, %dma_start3A_15] : memref<32x104x128xi32, #tpu.memory_space<hbm>> -> memref<1x104x128xi32, #tpu.memory_space<hbm>>
      %dma_start3A_17 = tpu.memref_squeeze %dma_start3A_16 : memref<1x104x128xi32, #tpu.memory_space<hbm>> -> memref<104x128xi32, #tpu.memory_space<hbm>>
      %dma_start3A_18 = arith.constant 0 : i32
      %dma_start3A_19 = arith.constant 0 : i32
      %dma_start3A_20 = tpu.memref_slice %arg3[%add3A, %dma_start3A_18, %dma_start3A_19] : memref<32x104x128xi32, #tpu.memory_space<hbm>> -> memref<1x104x128xi32, #tpu.memory_space<hbm>>
      %dma_start3A_21 = tpu.memref_squeeze %dma_start3A_20 : memref<1x104x128xi32, #tpu.memory_space<hbm>> -> memref<104x128xi32, #tpu.memory_space<hbm>>
      tpu.enqueue_dma source(%dma_start3A_21 : memref<104x128xi32, #tpu.memory_space<hbm>>) target(%arg5 : memref<104x128xi32, #tpu.memory_space<vmem>>) target_semaphore(%run_scoped3A : memref<!tpu.dma_semaphore, #tpu.memory_space<semaphore_mem>>)
      %dma_wait3A = arith.constant 0 : i32
      %dma_wait3A_22 = arith.constant 0 : i32
      %dma_wait3A_23 = tpu.memref_slice %arg3[%add3A, %dma_wait3A, %dma_wait3A_22] : memref<32x104x128xi32, #tpu.memory_space<hbm>> -> memref<1x104x128xi32, #tpu.memory_space<hbm>>
      %dma_wait3A_24 = tpu.memref_squeeze %dma_wait3A_23 : memref<1x104x128xi32, #tpu.memory_space<hbm>> -> memref<104x128xi32, #tpu.memory_space<hbm>>
      %dma_wait3A_25 = arith.constant 0 : i32
      %dma_wait3A_26 = arith.constant 0 : i32
      %dma_wait3A_27 = tpu.memref_slice %arg3[%add3A, %dma_wait3A_25, %dma_wait3A_26] : memref<32x104x128xi32, #tpu.memory_space<hbm>> -> memref<1x104x128xi32, #tpu.memory_space<hbm>>
      %dma_wait3A_28 = tpu.memref_squeeze %dma_wait3A_27 : memref<1x104x128xi32, #tpu.memory_space<hbm>> -> memref<104x128xi32, #tpu.memory_space<hbm>>
      tpu.wait_dma2 semaphore(%run_scoped3A : memref<!tpu.dma_semaphore, #tpu.memory_space<semaphore_mem>>) src(%dma_wait3A_28 : memref<104x128xi32, #tpu.memory_space<hbm>>) dst(%arg5 : memref<104x128xi32, #tpu.memory_space<vmem>>)
      tpu.yield
    }) : () -> ()
    %iota3A = tpu.iota {dimensions = array<i32: 0>} : vector<16xi32>
    %dma_start3A = arith.constant 0 : i32
    %dma_start3A_3 = arith.constant 0 : i32
    %dma_start3A_4 = tpu.memref_slice %arg5[%dma_start3A, %dma_start3A_3] : memref<104x128xi32, #tpu.memory_space<vmem>> -> memref<1x128xi32, #tpu.memory_space<vmem>>
    %dma_start3A_5 = tpu.memref_squeeze %dma_start3A_4 : memref<1x128xi32, #tpu.memory_space<vmem>> -> memref<128xi32, #tpu.memory_space<vmem>>
    %dma_start3A_6 = arith.constant 0 : i32
    %dma_start3A_7 = arith.constant 0 : i32
    %dma_start3A_8 = tpu.memref_slice %arg2[%dma_start3A_6, %dma_start3A_7] : memref<2600208x128xf32, #tpu.memory_space<hbm>> -> memref<2600208x128xf32, #tpu.memory_space<hbm>>
    tpu.enqueue_indirect_dma source(%dma_start3A_8 : memref<2600208x128xf32, #tpu.memory_space<hbm>>) target(%arg6 : memref<128x128xf32, #tpu.memory_space<vmem>>) offsets(%dma_start3A_5 : memref<128xi32, #tpu.memory_space<vmem>>) semaphore(%arg10 : memref<!tpu.dma_semaphore, #tpu.memory_space<semaphore_mem>>)
    %scan3A = arith.constant 0 : i32
    %scan3A_9 = arith.constant 0 : i32
    %scan3A_10 = arith.constant 52 : i32
    %scan3A_11 = arith.addi %scan3A_9, %scan3A_10 : i32
    %scan3A_12 = arith.constant 1 : i32
    scf.for %scan3A_14 = %scan3A_9 to %scan3A_11 step %scan3A_12  : i32 {
      %mul3A_15 = arith.constant 2 : i32
      %mul3A_16 = arith.muli %mul3A_15, %scan3A_14 : i32
      %add3A_17 = arith.constant 0 : i32
      %add3A_18 = arith.addi %mul3A_16, %add3A_17 : i32
      %add3A_19 = arith.constant 1 : i32
      %add3A_20 = arith.addi %add3A_18, %add3A_19 : i32
      %lt3A = arith.constant 104 : i32
      %lt3A_21 = arith.cmpi slt, %add3A_20, %lt3A : i32
      %convert_element_type3A = arith.extui %lt3A_21 : i1 to i32
      %cond3A = arith.constant 0 : i32
      %cond3A_22 = arith.cmpi ne, %convert_element_type3A, %cond3A : i32
      scf.if %cond3A_22 {
        %add3A_63 = arith.constant 1 : i32
        %add3A_64 = arith.addi %add3A_18, %add3A_63 : i32
        %dma_start3A_65 = arith.constant 0 : i32
        %dma_start3A_66 = tpu.memref_slice %arg5[%add3A_64, %dma_start3A_65] : memref<104x128xi32, #tpu.memory_space<vmem>> -> memref<1x128xi32, #tpu.memory_space<vmem>>
        %dma_start3A_67 = tpu.memref_squeeze %dma_start3A_66 : memref<1x128xi32, #tpu.memory_space<vmem>> -> memref<128xi32, #tpu.memory_space<vmem>>
        %dma_start3A_68 = arith.constant 0 : i32
        %dma_start3A_69 = arith.constant 0 : i32
        %dma_start3A_70 = tpu.memref_slice %arg2[%dma_start3A_68, %dma_start3A_69] : memref<2600208x128xf32, #tpu.memory_space<hbm>> -> memref<2600208x128xf32, #tpu.memory_space<hbm>>
        tpu.enqueue_indirect_dma source(%dma_start3A_70 : memref<2600208x128xf32, #tpu.memory_space<hbm>>) target(%arg7 : memref<128x128xf32, #tpu.memory_space<vmem>>) offsets(%dma_start3A_67 : memref<128xi32, #tpu.memory_space<vmem>>) semaphore(%arg11 : memref<!tpu.dma_semaphore, #tpu.memory_space<semaphore_mem>>)
      } else {
      }
      %dma_wait3A = arith.constant 0 : i32
      %dma_wait3A_23 = tpu.memref_slice %arg5[%add3A_18, %dma_wait3A] : memref<104x128xi32, #tpu.memory_space<vmem>> -> memref<1x128xi32, #tpu.memory_space<vmem>>
      %dma_wait3A_24 = tpu.memref_squeeze %dma_wait3A_23 : memref<1x128xi32, #tpu.memory_space<vmem>> -> memref<128xi32, #tpu.memory_space<vmem>>
      %dma_wait3A_25 = arith.constant 0 : i32
      %dma_wait3A_26 = arith.constant 0 : i32
      %dma_wait3A_27 = tpu.memref_slice %arg2[%dma_wait3A_25, %dma_wait3A_26] : memref<2600208x128xf32, #tpu.memory_space<hbm>> -> memref<2600208x128xf32, #tpu.memory_space<hbm>>
      tpu.wait_indirect_dma semaphore(%arg10 : memref<!tpu.dma_semaphore, #tpu.memory_space<semaphore_mem>>) src(%dma_wait3A_27 : memref<2600208x128xf32, #tpu.memory_space<hbm>>) dst(%arg6 : memref<128x128xf32, #tpu.memory_space<vmem>>)
      %scan3A_28 = arith.constant 0 : i32
      %scan3A_29 = arith.constant 0 : i32
      %scan3A_30 = arith.constant 8 : i32
      %scan3A_31 = arith.addi %scan3A_29, %scan3A_30 : i32
      %scan3A_32 = arith.constant 1 : i32
      scf.for %scan3A_63 = %scan3A_29 to %scan3A_31 step %scan3A_32  : i32 {
        %mul3A_64 = arith.constant 16 : i32
        %mul3A_65 = arith.muli %scan3A_63, %mul3A_64 : i32
        %add3A_66 = vector.broadcast %mul3A_65 : i32 to vector<16xi32>
        %add3A_67 = arith.addi %iota3A, %add3A_66 : vector<16xi32>
        %mul3A_68 = arith.constant 0 : i32
        %mul3A_69 = vector.broadcast %mul3A_68 : i32 to vector<16xi32>
        %mul3A_70 = arith.muli %iota3A, %mul3A_69 : vector<16xi32>
        %add3A_71 = arith.constant 0 : i32
        %add3A_72 = vector.broadcast %add3A_71 : i32 to vector<16xi32>
        %add3A_73 = arith.addi %mul3A_70, %add3A_72 : vector<16xi32>
        %gather3A = tpu.vector_load_idx %arg6[%add3A_67, %add3A_73] : memref<128x128xf32, #tpu.memory_space<vmem>>[vector<16xi32>, vector<16xi32>], vector<16xf32>,
        %mul3A_74 = arith.constant 0 : i32
        %mul3A_75 = vector.broadcast %mul3A_74 : i32 to vector<16xi32>
        %mul3A_76 = arith.muli %iota3A, %mul3A_75 : vector<16xi32>
        %add3A_77 = arith.constant 0 : i32
        %add3A_78 = vector.broadcast %add3A_77 : i32 to vector<16xi32>
        %add3A_79 = arith.addi %mul3A_76, %add3A_78 : vector<16xi32>
        tpu.vector_store_idx %arg8[%add3A_67, %add3A_79], %gather3A : memref<128x32xf32, #tpu.memory_space<vmem>>[vector<16xi32>, vector<16xi32>], vector<16xf32>,
        %mul3A_80 = arith.constant 0 : i32
        %mul3A_81 = vector.broadcast %mul3A_80 : i32 to vector<16xi32>
        %mul3A_82 = arith.muli %iota3A, %mul3A_81 : vector<16xi32>
        %add3A_83 = arith.constant 1 : i32
        %add3A_84 = vector.broadcast %add3A_83 : i32 to vector<16xi32>
        %add3A_85 = arith.addi %mul3A_82, %add3A_84 : vector<16xi32>
        %gather3A_86 = tpu.vector_load_idx %arg6[%add3A_67, %add3A_85] : memref<128x128xf32, #tpu.memory_space<vmem>>[vector<16xi32>, vector<16xi32>], vector<16xf32>,
        %mul3A_87 = arith.constant 0 : i32
        %mul3A_88 = vector.broadcast %mul3A_87 : i32 to vector<16xi32>
        %mul3A_89 = arith.muli %iota3A, %mul3A_88 : vector<16xi32>
        %add3A_90 = arith.constant 1 : i32
        %add3A_91 = vector.broadcast %add3A_90 : i32 to vector<16xi32>
        %add3A_92 = arith.addi %mul3A_89, %add3A_91 : vector<16xi32>
        tpu.vector_store_idx %arg8[%add3A_67, %add3A_92], %gather3A_86 : memref<128x32xf32, #tpu.memory_space<vmem>>[vector<16xi32>, vector<16xi32>], vector<16xf32>,
        %mul3A_93 = arith.constant 0 : i32
        %mul3A_94 = vector.broadcast %mul3A_93 : i32 to vector<16xi32>
        %mul3A_95 = arith.muli %iota3A, %mul3A_94 : vector<16xi32>
        %add3A_96 = arith.constant 2 : i32
        %add3A_97 = vector.broadcast %add3A_96 : i32 to vector<16xi32>
        %add3A_98 = arith.addi %mul3A_95, %add3A_97 : vector<16xi32>
        %gather3A_99 = tpu.vector_load_idx %arg6[%add3A_67, %add3A_98] : memref<128x128xf32, #tpu.memory_space<vmem>>[vector<16xi32>, vector<16xi32>], vector<16xf32>,
        %mul3A_100 = arith.constant 0 : i32
        %mul3A_101 = vector.broadcast %mul3A_100 : i32 to vector<16xi32>
        %mul3A_102 = arith.muli %iota3A, %mul3A_101 : vector<16xi32>
        %add3A_103 = arith.constant 2 : i32
        %add3A_104 = vector.broadcast %add3A_103 : i32 to vector<16xi32>
        %add3A_105 = arith.addi %mul3A_102, %add3A_104 : vector<16xi32>
        tpu.vector_store_idx %arg8[%add3A_67, %add3A_105], %gather3A_99 : memref<128x32xf32, #tpu.memory_space<vmem>>[vector<16xi32>, vector<16xi32>], vector<16xf32>,
        %mul3A_106 = arith.constant 0 : i32
        %mul3A_107 = vector.broadcast %mul3A_106 : i32 to vector<16xi32>
        %mul3A_108 = arith.muli %iota3A, %mul3A_107 : vector<16xi32>
        %add3A_109 = arith.constant 3 : i32
        %add3A_110 = vector.broadcast %add3A_109 : i32 to vector<16xi32>
        %add3A_111 = arith.addi %mul3A_108, %add3A_110 : vector<16xi32>
        %gather3A_112 = tpu.vector_load_idx %arg6[%add3A_67, %add3A_111] : memref<128x128xf32, #tpu.memory_space<vmem>>[vector<16xi32>, vector<16xi32>], vector<16xf32>,
        %mul3A_113 = arith.constant 0 : i32
        %mul3A_114 = vector.broadcast %mul3A_113 : i32 to vector<16xi32>
        %mul3A_115 = arith.muli %iota3A, %mul3A_114 : vector<16xi32>
        %add3A_116 = arith.constant 3 : i32
        %add3A_117 = vector.broadcast %add3A_116 : i32 to vector<16xi32>
        %add3A_118 = arith.addi %mul3A_115, %add3A_117 : vector<16xi32>
        tpu.vector_store_idx %arg8[%add3A_67, %add3A_118], %gather3A_112 : memref<128x32xf32, #tpu.memory_space<vmem>>[vector<16xi32>, vector<16xi32>], vector<16xf32>,
        %mul3A_119 = arith.constant 0 : i32
        %mul3A_120 = vector.broadcast %mul3A_119 : i32 to vector<16xi32>
        %mul3A_121 = arith.muli %iota3A, %mul3A_120 : vector<16xi32>
        %add3A_122 = arith.constant 4 : i32
        %add3A_123 = vector.broadcast %add3A_122 : i32 to vector<16xi32>
        %add3A_124 = arith.addi %mul3A_121, %add3A_123 : vector<16xi32>
        %gather3A_125 = tpu.vector_load_idx %arg6[%add3A_67, %add3A_124] : memref<128x128xf32, #tpu.memory_space<vmem>>[vector<16xi32>, vector<16xi32>], vector<16xf32>,
        %mul3A_126 = arith.constant 0 : i32
        %mul3A_127 = vector.broadcast %mul3A_126 : i32 to vector<16xi32>
        %mul3A_128 = arith.muli %iota3A, %mul3A_127 : vector<16xi32>
        %add3A_129 = arith.constant 4 : i32
        %add3A_130 = vector.broadcast %add3A_129 : i32 to vector<16xi32>
        %add3A_131 = arith.addi %mul3A_128, %add3A_130 : vector<16xi32>
        tpu.vector_store_idx %arg8[%add3A_67, %add3A_131], %gather3A_125 : memref<128x32xf32, #tpu.memory_space<vmem>>[vector<16xi32>, vector<16xi32>], vector<16xf32>,
        %mul3A_132 = arith.constant 0 : i32
        %mul3A_133 = vector.broadcast %mul3A_132 : i32 to vector<16xi32>
        %mul3A_134 = arith.muli %iota3A, %mul3A_133 : vector<16xi32>
        %add3A_135 = arith.constant 5 : i32
        %add3A_136 = vector.broadcast %add3A_135 : i32 to vector<16xi32>
        %add3A_137 = arith.addi %mul3A_134, %add3A_136 : vector<16xi32>
        %gather3A_138 = tpu.vector_load_idx %arg6[%add3A_67, %add3A_137] : memref<128x128xf32, #tpu.memory_space<vmem>>[vector<16xi32>, vector<16xi32>], vector<16xf32>,
        %mul3A_139 = arith.constant 0 : i32
        %mul3A_140 = vector.broadcast %mul3A_139 : i32 to vector<16xi32>
        %mul3A_141 = arith.muli %iota3A, %mul3A_140 : vector<16xi32>
        %add3A_142 = arith.constant 5 : i32
        %add3A_143 = vector.broadcast %add3A_142 : i32 to vector<16xi32>
        %add3A_144 = arith.addi %mul3A_141, %add3A_143 : vector<16xi32>
        tpu.vector_store_idx %arg8[%add3A_67, %add3A_144], %gather3A_138 : memref<128x32xf32, #tpu.memory_space<vmem>>[vector<16xi32>, vector<16xi32>], vector<16xf32>,
        %mul3A_145 = arith.constant 0 : i32
        %mul3A_146 = vector.broadcast %mul3A_145 : i32 to vector<16xi32>
        %mul3A_147 = arith.muli %iota3A, %mul3A_146 : vector<16xi32>
        %add3A_148 = arith.constant 6 : i32
        %add3A_149 = vector.broadcast %add3A_148 : i32 to vector<16xi32>
        %add3A_150 = arith.addi %mul3A_147, %add3A_149 : vector<16xi32>
        %gather3A_151 = tpu.vector_load_idx %arg6[%add3A_67, %add3A_150] : memref<128x128xf32, #tpu.memory_space<vmem>>[vector<16xi32>, vector<16xi32>], vector<16xf32>,
        %mul3A_152 = arith.constant 0 : i32
        %mul3A_153 = vector.broadcast %mul3A_152 : i32 to vector<16xi32>
        %mul3A_154 = arith.muli %iota3A, %mul3A_153 : vector<16xi32>
        %add3A_155 = arith.constant 6 : i32
        %add3A_156 = vector.broadcast %add3A_155 : i32 to vector<16xi32>
        %add3A_157 = arith.addi %mul3A_154, %add3A_156 : vector<16xi32>
        tpu.vector_store_idx %arg8[%add3A_67, %add3A_157], %gather3A_151 : memref<128x32xf32, #tpu.memory_space<vmem>>[vector<16xi32>, vector<16xi32>], vector<16xf32>,
        %mul3A_158 = arith.constant 0 : i32
        %mul3A_159 = vector.broadcast %mul3A_158 : i32 to vector<16xi32>
        %mul3A_160 = arith.muli %iota3A, %mul3A_159 : vector<16xi32>
        %add3A_161 = arith.constant 7 : i32
        %add3A_162 = vector.broadcast %add3A_161 : i32 to vector<16xi32>
        %add3A_163 = arith.addi %mul3A_160, %add3A_162 : vector<16xi32>
        %gather3A_164 = tpu.vector_load_idx %arg6[%add3A_67, %add3A_163] : memref<128x128xf32, #tpu.memory_space<vmem>>[vector<16xi32>, vector<16xi32>], vector<16xf32>,
        %mul3A_165 = arith.constant 0 : i32
        %mul3A_166 = vector.broadcast %mul3A_165 : i32 to vector<16xi32>
        %mul3A_167 = arith.muli %iota3A, %mul3A_166 : vector<16xi32>
        %add3A_168 = arith.constant 7 : i32
        %add3A_169 = vector.broadcast %add3A_168 : i32 to vector<16xi32>
        %add3A_170 = arith.addi %mul3A_167, %add3A_169 : vector<16xi32>
        tpu.vector_store_idx %arg8[%add3A_67, %add3A_170], %gather3A_164 : memref<128x32xf32, #tpu.memory_space<vmem>>[vector<16xi32>, vector<16xi32>], vector<16xf32>,
        %mul3A_171 = arith.constant 0 : i32
        %mul3A_172 = vector.broadcast %mul3A_171 : i32 to vector<16xi32>
        %mul3A_173 = arith.muli %iota3A, %mul3A_172 : vector<16xi32>
        %add3A_174 = arith.constant 8 : i32
        %add3A_175 = vector.broadcast %add3A_174 : i32 to vector<16xi32>
        %add3A_176 = arith.addi %mul3A_173, %add3A_175 : vector<16xi32>
        %gather3A_177 = tpu.vector_load_idx %arg6[%add3A_67, %add3A_176] : memref<128x128xf32, #tpu.memory_space<vmem>>[vector<16xi32>, vector<16xi32>], vector<16xf32>,
        %mul3A_178 = arith.constant 0 : i32
        %mul3A_179 = vector.broadcast %mul3A_178 : i32 to vector<16xi32>
        %mul3A_180 = arith.muli %iota3A, %mul3A_179 : vector<16xi32>
        %add3A_181 = arith.constant 8 : i32
        %add3A_182 = vector.broadcast %add3A_181 : i32 to vector<16xi32>
        %add3A_183 = arith.addi %mul3A_180, %add3A_182 : vector<16xi32>
        tpu.vector_store_idx %arg8[%add3A_67, %add3A_183], %gather3A_177 : memref<128x32xf32, #tpu.memory_space<vmem>>[vector<16xi32>, vector<16xi32>], vector<16xf32>,
        %mul3A_184 = arith.constant 0 : i32
        %mul3A_185 = vector.broadcast %mul3A_184 : i32 to vector<16xi32>
        %mul3A_186 = arith.muli %iota3A, %mul3A_185 : vector<16xi32>
        %add3A_187 = arith.constant 9 : i32
        %add3A_188 = vector.broadcast %add3A_187 : i32 to vector<16xi32>
        %add3A_189 = arith.addi %mul3A_186, %add3A_188 : vector<16xi32>
        %gather3A_190 = tpu.vector_load_idx %arg6[%add3A_67, %add3A_189] : memref<128x128xf32, #tpu.memory_space<vmem>>[vector<16xi32>, vector<16xi32>], vector<16xf32>,
        %mul3A_191 = arith.constant 0 : i32
        %mul3A_192 = vector.broadcast %mul3A_191 : i32 to vector<16xi32>
        %mul3A_193 = arith.muli %iota3A, %mul3A_192 : vector<16xi32>
        %add3A_194 = arith.constant 9 : i32
        %add3A_195 = vector.broadcast %add3A_194 : i32 to vector<16xi32>
        %add3A_196 = arith.addi %mul3A_193, %add3A_195 : vector<16xi32>
        tpu.vector_store_idx %arg8[%add3A_67, %add3A_196], %gather3A_190 : memref<128x32xf32, #tpu.memory_space<vmem>>[vector<16xi32>, vector<16xi32>], vector<16xf32>,
        %mul3A_197 = arith.constant 0 : i32
        %mul3A_198 = vector.broadcast %mul3A_197 : i32 to vector<16xi32>
        %mul3A_199 = arith.muli %iota3A, %mul3A_198 : vector<16xi32>
        %add3A_200 = arith.constant 10 : i32
        %add3A_201 = vector.broadcast %add3A_200 : i32 to vector<16xi32>
        %add3A_202 = arith.addi %mul3A_199, %add3A_201 : vector<16xi32>
        %gather3A_203 = tpu.vector_load_idx %arg6[%add3A_67, %add3A_202] : memref<128x128xf32, #tpu.memory_space<vmem>>[vector<16xi32>, vector<16xi32>], vector<16xf32>,
        %mul3A_204 = arith.constant 0 : i32
        %mul3A_205 = vector.broadcast %mul3A_204 : i32 to vector<16xi32>
        %mul3A_206 = arith.muli %iota3A, %mul3A_205 : vector<16xi32>
        %add3A_207 = arith.constant 10 : i32
        %add3A_208 = vector.broadcast %add3A_207 : i32 to vector<16xi32>
        %add3A_209 = arith.addi %mul3A_206, %add3A_208 : vector<16xi32>
        tpu.vector_store_idx %arg8[%add3A_67, %add3A_209], %gather3A_203 : memref<128x32xf32, #tpu.memory_space<vmem>>[vector<16xi32>, vector<16xi32>], vector<16xf32>,
        %mul3A_210 = arith.constant 0 : i32
        %mul3A_211 = vector.broadcast %mul3A_210 : i32 to vector<16xi32>
        %mul3A_212 = arith.muli %iota3A, %mul3A_211 : vector<16xi32>
        %add3A_213 = arith.constant 11 : i32
        %add3A_214 = vector.broadcast %add3A_213 : i32 to vector<16xi32>
        %add3A_215 = arith.addi %mul3A_212, %add3A_214 : vector<16xi32>
        %gather3A_216 = tpu.vector_load_idx %arg6[%add3A_67, %add3A_215] : memref<128x128xf32, #tpu.memory_space<vmem>>[vector<16xi32>, vector<16xi32>], vector<16xf32>,
        %mul3A_217 = arith.constant 0 : i32
        %mul3A_218 = vector.broadcast %mul3A_217 : i32 to vector<16xi32>
        %mul3A_219 = arith.muli %iota3A, %mul3A_218 : vector<16xi32>
        %add3A_220 = arith.constant 11 : i32
        %add3A_221 = vector.broadcast %add3A_220 : i32 to vector<16xi32>
        %add3A_222 = arith.addi %mul3A_219, %add3A_221 : vector<16xi32>
        tpu.vector_store_idx %arg8[%add3A_67, %add3A_222], %gather3A_216 : memref<128x32xf32, #tpu.memory_space<vmem>>[vector<16xi32>, vector<16xi32>], vector<16xf32>,
        %mul3A_223 = arith.constant 0 : i32
        %mul3A_224 = vector.broadcast %mul3A_223 : i32 to vector<16xi32>
        %mul3A_225 = arith.muli %iota3A, %mul3A_224 : vector<16xi32>
        %add3A_226 = arith.constant 12 : i32
        %add3A_227 = vector.broadcast %add3A_226 : i32 to vector<16xi32>
        %add3A_228 = arith.addi %mul3A_225, %add3A_227 : vector<16xi32>
        %gather3A_229 = tpu.vector_load_idx %arg6[%add3A_67, %add3A_228] : memref<128x128xf32, #tpu.memory_space<vmem>>[vector<16xi32>, vector<16xi32>], vector<16xf32>,
        %mul3A_230 = arith.constant 0 : i32
        %mul3A_231 = vector.broadcast %mul3A_230 : i32 to vector<16xi32>
        %mul3A_232 = arith.muli %iota3A, %mul3A_231 : vector<16xi32>
        %add3A_233 = arith.constant 12 : i32
        %add3A_234 = vector.broadcast %add3A_233 : i32 to vector<16xi32>
        %add3A_235 = arith.addi %mul3A_232, %add3A_234 : vector<16xi32>
        tpu.vector_store_idx %arg8[%add3A_67, %add3A_235], %gather3A_229 : memref<128x32xf32, #tpu.memory_space<vmem>>[vector<16xi32>, vector<16xi32>], vector<16xf32>,
        %mul3A_236 = arith.constant 0 : i32
        %mul3A_237 = vector.broadcast %mul3A_236 : i32 to vector<16xi32>
        %mul3A_238 = arith.muli %iota3A, %mul3A_237 : vector<16xi32>
        %add3A_239 = arith.constant 13 : i32
        %add3A_240 = vector.broadcast %add3A_239 : i32 to vector<16xi32>
        %add3A_241 = arith.addi %mul3A_238, %add3A_240 : vector<16xi32>
        %gather3A_242 = tpu.vector_load_idx %arg6[%add3A_67, %add3A_241] : memref<128x128xf32, #tpu.memory_space<vmem>>[vector<16xi32>, vector<16xi32>], vector<16xf32>,
        %mul3A_243 = arith.constant 0 : i32
        %mul3A_244 = vector.broadcast %mul3A_243 : i32 to vector<16xi32>
        %mul3A_245 = arith.muli %iota3A, %mul3A_244 : vector<16xi32>
        %add3A_246 = arith.constant 13 : i32
        %add3A_247 = vector.broadcast %add3A_246 : i32 to vector<16xi32>
        %add3A_248 = arith.addi %mul3A_245, %add3A_247 : vector<16xi32>
        tpu.vector_store_idx %arg8[%add3A_67, %add3A_248], %gather3A_242 : memref<128x32xf32, #tpu.memory_space<vmem>>[vector<16xi32>, vector<16xi32>], vector<16xf32>,
        %mul3A_249 = arith.constant 0 : i32
        %mul3A_250 = vector.broadcast %mul3A_249 : i32 to vector<16xi32>
        %mul3A_251 = arith.muli %iota3A, %mul3A_250 : vector<16xi32>
        %add3A_252 = arith.constant 14 : i32
        %add3A_253 = vector.broadcast %add3A_252 : i32 to vector<16xi32>
        %add3A_254 = arith.addi %mul3A_251, %add3A_253 : vector<16xi32>
        %gather3A_255 = tpu.vector_load_idx %arg6[%add3A_67, %add3A_254] : memref<128x128xf32, #tpu.memory_space<vmem>>[vector<16xi32>, vector<16xi32>], vector<16xf32>,
        %mul3A_256 = arith.constant 0 : i32
        %mul3A_257 = vector.broadcast %mul3A_256 : i32 to vector<16xi32>
        %mul3A_258 = arith.muli %iota3A, %mul3A_257 : vector<16xi32>
        %add3A_259 = arith.constant 14 : i32
        %add3A_260 = vector.broadcast %add3A_259 : i32 to vector<16xi32>
        %add3A_261 = arith.addi %mul3A_258, %add3A_260 : vector<16xi32>
        tpu.vector_store_idx %arg8[%add3A_67, %add3A_261], %gather3A_255 : memref<128x32xf32, #tpu.memory_space<vmem>>[vector<16xi32>, vector<16xi32>], vector<16xf32>,
        %mul3A_262 = arith.constant 0 : i32
        %mul3A_263 = vector.broadcast %mul3A_262 : i32 to vector<16xi32>
        %mul3A_264 = arith.muli %iota3A, %mul3A_263 : vector<16xi32>
        %add3A_265 = arith.constant 15 : i32
        %add3A_266 = vector.broadcast %add3A_265 : i32 to vector<16xi32>
        %add3A_267 = arith.addi %mul3A_264, %add3A_266 : vector<16xi32>
        %gather3A_268 = tpu.vector_load_idx %arg6[%add3A_67, %add3A_267] : memref<128x128xf32, #tpu.memory_space<vmem>>[vector<16xi32>, vector<16xi32>], vector<16xf32>,
        %mul3A_269 = arith.constant 0 : i32
        %mul3A_270 = vector.broadcast %mul3A_269 : i32 to vector<16xi32>
        %mul3A_271 = arith.muli %iota3A, %mul3A_270 : vector<16xi32>
        %add3A_272 = arith.constant 15 : i32
        %add3A_273 = vector.broadcast %add3A_272 : i32 to vector<16xi32>
        %add3A_274 = arith.addi %mul3A_271, %add3A_273 : vector<16xi32>
        tpu.vector_store_idx %arg8[%add3A_67, %add3A_274], %gather3A_268 : memref<128x32xf32, #tpu.memory_space<vmem>>[vector<16xi32>, vector<16xi32>], vector<16xf32>,
        %mul3A_275 = arith.constant 0 : i32
        %mul3A_276 = vector.broadcast %mul3A_275 : i32 to vector<16xi32>
        %mul3A_277 = arith.muli %iota3A, %mul3A_276 : vector<16xi32>
        %add3A_278 = arith.constant 16 : i32
        %add3A_279 = vector.broadcast %add3A_278 : i32 to vector<16xi32>
        %add3A_280 = arith.addi %mul3A_277, %add3A_279 : vector<16xi32>
        %gather3A_281 = tpu.vector_load_idx %arg6[%add3A_67, %add3A_280] : memref<128x128xf32, #tpu.memory_space<vmem>>[vector<16xi32>, vector<16xi32>], vector<16xf32>,
        %mul3A_282 = arith.constant 0 : i32
        %mul3A_283 = vector.broadcast %mul3A_282 : i32 to vector<16xi32>
        %mul3A_284 = arith.muli %iota3A, %mul3A_283 : vector<16xi32>
        %add3A_285 = arith.constant 16 : i32
        %add3A_286 = vector.broadcast %add3A_285 : i32 to vector<16xi32>
        %add3A_287 = arith.addi %mul3A_284, %add3A_286 : vector<16xi32>
        tpu.vector_store_idx %arg8[%add3A_67, %add3A_287], %gather3A_281 : memref<128x32xf32, #tpu.memory_space<vmem>>[vector<16xi32>, vector<16xi32>], vector<16xf32>,
        %mul3A_288 = arith.constant 0 : i32
        %mul3A_289 = vector.broadcast %mul3A_288 : i32 to vector<16xi32>
        %mul3A_290 = arith.muli %iota3A, %mul3A_289 : vector<16xi32>
        %add3A_291 = arith.constant 17 : i32
        %add3A_292 = vector.broadcast %add3A_291 : i32 to vector<16xi32>
        %add3A_293 = arith.addi %mul3A_290, %add3A_292 : vector<16xi32>
        %gather3A_294 = tpu.vector_load_idx %arg6[%add3A_67, %add3A_293] : memref<128x128xf32, #tpu.memory_space<vmem>>[vector<16xi32>, vector<16xi32>], vector<16xf32>,
        %mul3A_295 = arith.constant 0 : i32
        %mul3A_296 = vector.broadcast %mul3A_295 : i32 to vector<16xi32>
        %mul3A_297 = arith.muli %iota3A, %mul3A_296 : vector<16xi32>
        %add3A_298 = arith.constant 17 : i32
        %add3A_299 = vector.broadcast %add3A_298 : i32 to vector<16xi32>
        %add3A_300 = arith.addi %mul3A_297, %add3A_299 : vector<16xi32>
        tpu.vector_store_idx %arg8[%add3A_67, %add3A_300], %gather3A_294 : memref<128x32xf32, #tpu.memory_space<vmem>>[vector<16xi32>, vector<16xi32>], vector<16xf32>,
        %mul3A_301 = arith.constant 0 : i32
        %mul3A_302 = vector.broadcast %mul3A_301 : i32 to vector<16xi32>
        %mul3A_303 = arith.muli %iota3A, %mul3A_302 : vector<16xi32>
        %add3A_304 = arith.constant 18 : i32
        %add3A_305 = vector.broadcast %add3A_304 : i32 to vector<16xi32>
        %add3A_306 = arith.addi %mul3A_303, %add3A_305 : vector<16xi32>
        %gather3A_307 = tpu.vector_load_idx %arg6[%add3A_67, %add3A_306] : memref<128x128xf32, #tpu.memory_space<vmem>>[vector<16xi32>, vector<16xi32>], vector<16xf32>,
        %mul3A_308 = arith.constant 0 : i32
        %mul3A_309 = vector.broadcast %mul3A_308 : i32 to vector<16xi32>
        %mul3A_310 = arith.muli %iota3A, %mul3A_309 : vector<16xi32>
        %add3A_311 = arith.constant 18 : i32
        %add3A_312 = vector.broadcast %add3A_311 : i32 to vector<16xi32>
        %add3A_313 = arith.addi %mul3A_310, %add3A_312 : vector<16xi32>
        tpu.vector_store_idx %arg8[%add3A_67, %add3A_313], %gather3A_307 : memref<128x32xf32, #tpu.memory_space<vmem>>[vector<16xi32>, vector<16xi32>], vector<16xf32>,
        %mul3A_314 = arith.constant 0 : i32
        %mul3A_315 = vector.broadcast %mul3A_314 : i32 to vector<16xi32>
        %mul3A_316 = arith.muli %iota3A, %mul3A_315 : vector<16xi32>
        %add3A_317 = arith.constant 19 : i32
        %add3A_318 = vector.broadcast %add3A_317 : i32 to vector<16xi32>
        %add3A_319 = arith.addi %mul3A_316, %add3A_318 : vector<16xi32>
        %gather3A_320 = tpu.vector_load_idx %arg6[%add3A_67, %add3A_319] : memref<128x128xf32, #tpu.memory_space<vmem>>[vector<16xi32>, vector<16xi32>], vector<16xf32>,
        %mul3A_321 = arith.constant 0 : i32
        %mul3A_322 = vector.broadcast %mul3A_321 : i32 to vector<16xi32>
        %mul3A_323 = arith.muli %iota3A, %mul3A_322 : vector<16xi32>
        %add3A_324 = arith.constant 19 : i32
        %add3A_325 = vector.broadcast %add3A_324 : i32 to vector<16xi32>
        %add3A_326 = arith.addi %mul3A_323, %add3A_325 : vector<16xi32>
        tpu.vector_store_idx %arg8[%add3A_67, %add3A_326], %gather3A_320 : memref<128x32xf32, #tpu.memory_space<vmem>>[vector<16xi32>, vector<16xi32>], vector<16xf32>,
        %mul3A_327 = arith.constant 0 : i32
        %mul3A_328 = vector.broadcast %mul3A_327 : i32 to vector<16xi32>
        %mul3A_329 = arith.muli %iota3A, %mul3A_328 : vector<16xi32>
        %add3A_330 = arith.constant 20 : i32
        %add3A_331 = vector.broadcast %add3A_330 : i32 to vector<16xi32>
        %add3A_332 = arith.addi %mul3A_329, %add3A_331 : vector<16xi32>
        %gather3A_333 = tpu.vector_load_idx %arg6[%add3A_67, %add3A_332] : memref<128x128xf32, #tpu.memory_space<vmem>>[vector<16xi32>, vector<16xi32>], vector<16xf32>,
        %mul3A_334 = arith.constant 0 : i32
        %mul3A_335 = vector.broadcast %mul3A_334 : i32 to vector<16xi32>
        %mul3A_336 = arith.muli %iota3A, %mul3A_335 : vector<16xi32>
        %add3A_337 = arith.constant 20 : i32
        %add3A_338 = vector.broadcast %add3A_337 : i32 to vector<16xi32>
        %add3A_339 = arith.addi %mul3A_336, %add3A_338 : vector<16xi32>
        tpu.vector_store_idx %arg8[%add3A_67, %add3A_339], %gather3A_333 : memref<128x32xf32, #tpu.memory_space<vmem>>[vector<16xi32>, vector<16xi32>], vector<16xf32>,
        %mul3A_340 = arith.constant 0 : i32
        %mul3A_341 = vector.broadcast %mul3A_340 : i32 to vector<16xi32>
        %mul3A_342 = arith.muli %iota3A, %mul3A_341 : vector<16xi32>
        %add3A_343 = arith.constant 21 : i32
        %add3A_344 = vector.broadcast %add3A_343 : i32 to vector<16xi32>
        %add3A_345 = arith.addi %mul3A_342, %add3A_344 : vector<16xi32>
        %gather3A_346 = tpu.vector_load_idx %arg6[%add3A_67, %add3A_345] : memref<128x128xf32, #tpu.memory_space<vmem>>[vector<16xi32>, vector<16xi32>], vector<16xf32>,
        %mul3A_347 = arith.constant 0 : i32
        %mul3A_348 = vector.broadcast %mul3A_347 : i32 to vector<16xi32>
        %mul3A_349 = arith.muli %iota3A, %mul3A_348 : vector<16xi32>
        %add3A_350 = arith.constant 21 : i32
        %add3A_351 = vector.broadcast %add3A_350 : i32 to vector<16xi32>
        %add3A_352 = arith.addi %mul3A_349, %add3A_351 : vector<16xi32>
        tpu.vector_store_idx %arg8[%add3A_67, %add3A_352], %gather3A_346 : memref<128x32xf32, #tpu.memory_space<vmem>>[vector<16xi32>, vector<16xi32>], vector<16xf32>,
        %mul3A_353 = arith.constant 0 : i32
        %mul3A_354 = vector.broadcast %mul3A_353 : i32 to vector<16xi32>
        %mul3A_355 = arith.muli %iota3A, %mul3A_354 : vector<16xi32>
        %add3A_356 = arith.constant 22 : i32
        %add3A_357 = vector.broadcast %add3A_356 : i32 to vector<16xi32>
        %add3A_358 = arith.addi %mul3A_355, %add3A_357 : vector<16xi32>
        %gather3A_359 = tpu.vector_load_idx %arg6[%add3A_67, %add3A_358] : memref<128x128xf32, #tpu.memory_space<vmem>>[vector<16xi32>, vector<16xi32>], vector<16xf32>,
        %mul3A_360 = arith.constant 0 : i32
        %mul3A_361 = vector.broadcast %mul3A_360 : i32 to vector<16xi32>
        %mul3A_362 = arith.muli %iota3A, %mul3A_361 : vector<16xi32>
        %add3A_363 = arith.constant 22 : i32
        %add3A_364 = vector.broadcast %add3A_363 : i32 to vector<16xi32>
        %add3A_365 = arith.addi %mul3A_362, %add3A_364 : vector<16xi32>
        tpu.vector_store_idx %arg8[%add3A_67, %add3A_365], %gather3A_359 : memref<128x32xf32, #tpu.memory_space<vmem>>[vector<16xi32>, vector<16xi32>], vector<16xf32>,
        %mul3A_366 = arith.constant 0 : i32
        %mul3A_367 = vector.broadcast %mul3A_366 : i32 to vector<16xi32>
        %mul3A_368 = arith.muli %iota3A, %mul3A_367 : vector<16xi32>
        %add3A_369 = arith.constant 23 : i32
        %add3A_370 = vector.broadcast %add3A_369 : i32 to vector<16xi32>
        %add3A_371 = arith.addi %mul3A_368, %add3A_370 : vector<16xi32>
        %gather3A_372 = tpu.vector_load_idx %arg6[%add3A_67, %add3A_371] : memref<128x128xf32, #tpu.memory_space<vmem>>[vector<16xi32>, vector<16xi32>], vector<16xf32>,
        %mul3A_373 = arith.constant 0 : i32
        %mul3A_374 = vector.broadcast %mul3A_373 : i32 to vector<16xi32>
        %mul3A_375 = arith.muli %iota3A, %mul3A_374 : vector<16xi32>
        %add3A_376 = arith.constant 23 : i32
        %add3A_377 = vector.broadcast %add3A_376 : i32 to vector<16xi32>
        %add3A_378 = arith.addi %mul3A_375, %add3A_377 : vector<16xi32>
        tpu.vector_store_idx %arg8[%add3A_67, %add3A_378], %gather3A_372 : memref<128x32xf32, #tpu.memory_space<vmem>>[vector<16xi32>, vector<16xi32>], vector<16xf32>,
        %mul3A_379 = arith.constant 0 : i32
        %mul3A_380 = vector.broadcast %mul3A_379 : i32 to vector<16xi32>
        %mul3A_381 = arith.muli %iota3A, %mul3A_380 : vector<16xi32>
        %add3A_382 = arith.constant 24 : i32
        %add3A_383 = vector.broadcast %add3A_382 : i32 to vector<16xi32>
        %add3A_384 = arith.addi %mul3A_381, %add3A_383 : vector<16xi32>
        %gather3A_385 = tpu.vector_load_idx %arg6[%add3A_67, %add3A_384] : memref<128x128xf32, #tpu.memory_space<vmem>>[vector<16xi32>, vector<16xi32>], vector<16xf32>,
        %mul3A_386 = arith.constant 0 : i32
        %mul3A_387 = vector.broadcast %mul3A_386 : i32 to vector<16xi32>
        %mul3A_388 = arith.muli %iota3A, %mul3A_387 : vector<16xi32>
        %add3A_389 = arith.constant 24 : i32
        %add3A_390 = vector.broadcast %add3A_389 : i32 to vector<16xi32>
        %add3A_391 = arith.addi %mul3A_388, %add3A_390 : vector<16xi32>
        tpu.vector_store_idx %arg8[%add3A_67, %add3A_391], %gather3A_385 : memref<128x32xf32, #tpu.memory_space<vmem>>[vector<16xi32>, vector<16xi32>], vector<16xf32>,
        %mul3A_392 = arith.constant 0 : i32
        %mul3A_393 = vector.broadcast %mul3A_392 : i32 to vector<16xi32>
        %mul3A_394 = arith.muli %iota3A, %mul3A_393 : vector<16xi32>
        %add3A_395 = arith.constant 25 : i32
        %add3A_396 = vector.broadcast %add3A_395 : i32 to vector<16xi32>
        %add3A_397 = arith.addi %mul3A_394, %add3A_396 : vector<16xi32>
        %gather3A_398 = tpu.vector_load_idx %arg6[%add3A_67, %add3A_397] : memref<128x128xf32, #tpu.memory_space<vmem>>[vector<16xi32>, vector<16xi32>], vector<16xf32>,
        %mul3A_399 = arith.constant 0 : i32
        %mul3A_400 = vector.broadcast %mul3A_399 : i32 to vector<16xi32>
        %mul3A_401 = arith.muli %iota3A, %mul3A_400 : vector<16xi32>
        %add3A_402 = arith.constant 25 : i32
        %add3A_403 = vector.broadcast %add3A_402 : i32 to vector<16xi32>
        %add3A_404 = arith.addi %mul3A_401, %add3A_403 : vector<16xi32>
        tpu.vector_store_idx %arg8[%add3A_67, %add3A_404], %gather3A_398 : memref<128x32xf32, #tpu.memory_space<vmem>>[vector<16xi32>, vector<16xi32>], vector<16xf32>,
        %mul3A_405 = arith.constant 0 : i32
        %mul3A_406 = vector.broadcast %mul3A_405 : i32 to vector<16xi32>
        %mul3A_407 = arith.muli %iota3A, %mul3A_406 : vector<16xi32>
        %add3A_408 = arith.constant 26 : i32
        %add3A_409 = vector.broadcast %add3A_408 : i32 to vector<16xi32>
        %add3A_410 = arith.addi %mul3A_407, %add3A_409 : vector<16xi32>
        %gather3A_411 = tpu.vector_load_idx %arg6[%add3A_67, %add3A_410] : memref<128x128xf32, #tpu.memory_space<vmem>>[vector<16xi32>, vector<16xi32>], vector<16xf32>,
        %mul3A_412 = arith.constant 0 : i32
        %mul3A_413 = vector.broadcast %mul3A_412 : i32 to vector<16xi32>
        %mul3A_414 = arith.muli %iota3A, %mul3A_413 : vector<16xi32>
        %add3A_415 = arith.constant 26 : i32
        %add3A_416 = vector.broadcast %add3A_415 : i32 to vector<16xi32>
        %add3A_417 = arith.addi %mul3A_414, %add3A_416 : vector<16xi32>
        tpu.vector_store_idx %arg8[%add3A_67, %add3A_417], %gather3A_411 : memref<128x32xf32, #tpu.memory_space<vmem>>[vector<16xi32>, vector<16xi32>], vector<16xf32>,
        %mul3A_418 = arith.constant 0 : i32
        %mul3A_419 = vector.broadcast %mul3A_418 : i32 to vector<16xi32>
        %mul3A_420 = arith.muli %iota3A, %mul3A_419 : vector<16xi32>
        %add3A_421 = arith.constant 27 : i32
        %add3A_422 = vector.broadcast %add3A_421 : i32 to vector<16xi32>
        %add3A_423 = arith.addi %mul3A_420, %add3A_422 : vector<16xi32>
        %gather3A_424 = tpu.vector_load_idx %arg6[%add3A_67, %add3A_423] : memref<128x128xf32, #tpu.memory_space<vmem>>[vector<16xi32>, vector<16xi32>], vector<16xf32>,
        %mul3A_425 = arith.constant 0 : i32
        %mul3A_426 = vector.broadcast %mul3A_425 : i32 to vector<16xi32>
        %mul3A_427 = arith.muli %iota3A, %mul3A_426 : vector<16xi32>
        %add3A_428 = arith.constant 27 : i32
        %add3A_429 = vector.broadcast %add3A_428 : i32 to vector<16xi32>
        %add3A_430 = arith.addi %mul3A_427, %add3A_429 : vector<16xi32>
        tpu.vector_store_idx %arg8[%add3A_67, %add3A_430], %gather3A_424 : memref<128x32xf32, #tpu.memory_space<vmem>>[vector<16xi32>, vector<16xi32>], vector<16xf32>,
        %mul3A_431 = arith.constant 0 : i32
        %mul3A_432 = vector.broadcast %mul3A_431 : i32 to vector<16xi32>
        %mul3A_433 = arith.muli %iota3A, %mul3A_432 : vector<16xi32>
        %add3A_434 = arith.constant 28 : i32
        %add3A_435 = vector.broadcast %add3A_434 : i32 to vector<16xi32>
        %add3A_436 = arith.addi %mul3A_433, %add3A_435 : vector<16xi32>
        %gather3A_437 = tpu.vector_load_idx %arg6[%add3A_67, %add3A_436] : memref<128x128xf32, #tpu.memory_space<vmem>>[vector<16xi32>, vector<16xi32>], vector<16xf32>,
        %mul3A_438 = arith.constant 0 : i32
        %mul3A_439 = vector.broadcast %mul3A_438 : i32 to vector<16xi32>
        %mul3A_440 = arith.muli %iota3A, %mul3A_439 : vector<16xi32>
        %add3A_441 = arith.constant 28 : i32
        %add3A_442 = vector.broadcast %add3A_441 : i32 to vector<16xi32>
        %add3A_443 = arith.addi %mul3A_440, %add3A_442 : vector<16xi32>
        tpu.vector_store_idx %arg8[%add3A_67, %add3A_443], %gather3A_437 : memref<128x32xf32, #tpu.memory_space<vmem>>[vector<16xi32>, vector<16xi32>], vector<16xf32>,
        %mul3A_444 = arith.constant 0 : i32
        %mul3A_445 = vector.broadcast %mul3A_444 : i32 to vector<16xi32>
        %mul3A_446 = arith.muli %iota3A, %mul3A_445 : vector<16xi32>
        %add3A_447 = arith.constant 29 : i32
        %add3A_448 = vector.broadcast %add3A_447 : i32 to vector<16xi32>
        %add3A_449 = arith.addi %mul3A_446, %add3A_448 : vector<16xi32>
        %gather3A_450 = tpu.vector_load_idx %arg6[%add3A_67, %add3A_449] : memref<128x128xf32, #tpu.memory_space<vmem>>[vector<16xi32>, vector<16xi32>], vector<16xf32>,
        %mul3A_451 = arith.constant 0 : i32
        %mul3A_452 = vector.broadcast %mul3A_451 : i32 to vector<16xi32>
        %mul3A_453 = arith.muli %iota3A, %mul3A_452 : vector<16xi32>
        %add3A_454 = arith.constant 29 : i32
        %add3A_455 = vector.broadcast %add3A_454 : i32 to vector<16xi32>
        %add3A_456 = arith.addi %mul3A_453, %add3A_455 : vector<16xi32>
        tpu.vector_store_idx %arg8[%add3A_67, %add3A_456], %gather3A_450 : memref<128x32xf32, #tpu.memory_space<vmem>>[vector<16xi32>, vector<16xi32>], vector<16xf32>,
        %mul3A_457 = arith.constant 0 : i32
        %mul3A_458 = vector.broadcast %mul3A_457 : i32 to vector<16xi32>
        %mul3A_459 = arith.muli %iota3A, %mul3A_458 : vector<16xi32>
        %add3A_460 = arith.constant 30 : i32
        %add3A_461 = vector.broadcast %add3A_460 : i32 to vector<16xi32>
        %add3A_462 = arith.addi %mul3A_459, %add3A_461 : vector<16xi32>
        %gather3A_463 = tpu.vector_load_idx %arg6[%add3A_67, %add3A_462] : memref<128x128xf32, #tpu.memory_space<vmem>>[vector<16xi32>, vector<16xi32>], vector<16xf32>,
        %mul3A_464 = arith.constant 0 : i32
        %mul3A_465 = vector.broadcast %mul3A_464 : i32 to vector<16xi32>
        %mul3A_466 = arith.muli %iota3A, %mul3A_465 : vector<16xi32>
        %add3A_467 = arith.constant 30 : i32
        %add3A_468 = vector.broadcast %add3A_467 : i32 to vector<16xi32>
        %add3A_469 = arith.addi %mul3A_466, %add3A_468 : vector<16xi32>
        tpu.vector_store_idx %arg8[%add3A_67, %add3A_469], %gather3A_463 : memref<128x32xf32, #tpu.memory_space<vmem>>[vector<16xi32>, vector<16xi32>], vector<16xf32>,
        %mul3A_470 = arith.constant 0 : i32
        %mul3A_471 = vector.broadcast %mul3A_470 : i32 to vector<16xi32>
        %mul3A_472 = arith.muli %iota3A, %mul3A_471 : vector<16xi32>
        %add3A_473 = arith.constant 31 : i32
        %add3A_474 = vector.broadcast %add3A_473 : i32 to vector<16xi32>
        %add3A_475 = arith.addi %mul3A_472, %add3A_474 : vector<16xi32>
        %gather3A_476 = tpu.vector_load_idx %arg6[%add3A_67, %add3A_475] : memref<128x128xf32, #tpu.memory_space<vmem>>[vector<16xi32>, vector<16xi32>], vector<16xf32>,
        %mul3A_477 = arith.constant 0 : i32
        %mul3A_478 = vector.broadcast %mul3A_477 : i32 to vector<16xi32>
        %mul3A_479 = arith.muli %iota3A, %mul3A_478 : vector<16xi32>
        %add3A_480 = arith.constant 31 : i32
        %add3A_481 = vector.broadcast %add3A_480 : i32 to vector<16xi32>
        %add3A_482 = arith.addi %mul3A_479, %add3A_481 : vector<16xi32>
        tpu.vector_store_idx %arg8[%add3A_67, %add3A_482], %gather3A_476 : memref<128x32xf32, #tpu.memory_space<vmem>>[vector<16xi32>, vector<16xi32>], vector<16xf32>,
      }
      %scan3A_33 = arith.constant 8 : i32
      %mul3A_34 = arith.constant 128 : i32
      %mul3A_35 = arith.muli %add3A_18, %mul3A_34 : i32
      %add3A_36 = arith.addi %mul3A_2, %mul3A_35 : i32
      "tpu.region"() ({
        %run_scoped3A = tpu.sem_alloc : memref<!tpu.dma_semaphore, #tpu.memory_space<semaphore_mem>>
        %dma_start3A_63 = arith.constant 0 : i32
        %dma_start3A_64 = tpu.memref_slice %arg4[%add3A_36, %dma_start3A_63] : memref<425984x32xf32, #tpu.memory_space<hbm>> -> memref<128x32xf32, #tpu.memory_space<hbm>>
        %dma_start3A_65 = arith.constant 0 : i32
        %dma_start3A_66 = tpu.memref_slice %arg4[%add3A_36, %dma_start3A_65] : memref<425984x32xf32, #tpu.memory_space<hbm>> -> memref<128x32xf32, #tpu.memory_space<hbm>>
        tpu.enqueue_dma source(%arg8 : memref<128x32xf32, #tpu.memory_space<vmem>>) target(%dma_start3A_66 : memref<128x32xf32, #tpu.memory_space<hbm>>) target_semaphore(%run_scoped3A : memref<!tpu.dma_semaphore, #tpu.memory_space<semaphore_mem>>)
        %dma_wait3A_67 = arith.constant 0 : i32
        %dma_wait3A_68 = tpu.memref_slice %arg4[%add3A_36, %dma_wait3A_67] : memref<425984x32xf32, #tpu.memory_space<hbm>> -> memref<128x32xf32, #tpu.memory_space<hbm>>
        %dma_wait3A_69 = arith.constant 0 : i32
        %dma_wait3A_70 = tpu.memref_slice %arg4[%add3A_36, %dma_wait3A_69] : memref<425984x32xf32, #tpu.memory_space<hbm>> -> memref<128x32xf32, #tpu.memory_space<hbm>>
        tpu.wait_dma2 semaphore(%run_scoped3A : memref<!tpu.dma_semaphore, #tpu.memory_space<semaphore_mem>>) src(%arg8 : memref<128x32xf32, #tpu.memory_space<vmem>>) dst(%dma_wait3A_70 : memref<128x32xf32, #tpu.memory_space<hbm>>)
        tpu.yield
      }) : () -> ()
      %mul3A_37 = arith.constant 2 : i32
      %mul3A_38 = arith.muli %mul3A_37, %scan3A_14 : i32
      %add3A_39 = arith.constant 1 : i32
      %add3A_40 = arith.addi %mul3A_38, %add3A_39 : i32
      %add3A_41 = arith.constant 1 : i32
      %add3A_42 = arith.addi %add3A_40, %add3A_41 : i32
      %lt3A_43 = arith.constant 104 : i32
      %lt3A_44 = arith.cmpi slt, %add3A_42, %lt3A_43 : i32
      %convert_element_type3A_45 = arith.extui %lt3A_44 : i1 to i32
      %cond3A_46 = arith.constant 0 : i32
      %cond3A_47 = arith.cmpi ne, %convert_element_type3A_45, %cond3A_46 : i32
      scf.if %cond3A_47 {
        %add3A_63 = arith.constant 1 : i32
        %add3A_64 = arith.addi %add3A_40, %add3A_63 : i32
        %dma_start3A_65 = arith.constant 0 : i32
        %dma_start3A_66 = tpu.memref_slice %arg5[%add3A_64, %dma_start3A_65] : memref<104x128xi32, #tpu.memory_space<vmem>> -> memref<1x128xi32, #tpu.memory_space<vmem>>
        %dma_start3A_67 = tpu.memref_squeeze %dma_start3A_66 : memref<1x128xi32, #tpu.memory_space<vmem>> -> memref<128xi32, #tpu.memory_space<vmem>>
        %dma_start3A_68 = arith.constant 0 : i32
        %dma_start3A_69 = arith.constant 0 : i32
        %dma_start3A_70 = tpu.memref_slice %arg2[%dma_start3A_68, %dma_start3A_69] : memref<2600208x128xf32, #tpu.memory_space<hbm>> -> memref<2600208x128xf32, #tpu.memory_space<hbm>>
        tpu.enqueue_indirect_dma source(%dma_start3A_70 : memref<2600208x128xf32, #tpu.memory_space<hbm>>) target(%arg6 : memref<128x128xf32, #tpu.memory_space<vmem>>) offsets(%dma_start3A_67 : memref<128xi32, #tpu.memory_space<vmem>>) semaphore(%arg10 : memref<!tpu.dma_semaphore, #tpu.memory_space<semaphore_mem>>)
      } else {
      }
      %dma_wait3A_48 = arith.constant 0 : i32
      %dma_wait3A_49 = tpu.memref_slice %arg5[%add3A_40, %dma_wait3A_48] : memref<104x128xi32, #tpu.memory_space<vmem>> -> memref<1x128xi32, #tpu.memory_space<vmem>>
      %dma_wait3A_50 = tpu.memref_squeeze %dma_wait3A_49 : memref<1x128xi32, #tpu.memory_space<vmem>> -> memref<128xi32, #tpu.memory_space<vmem>>
      %dma_wait3A_51 = arith.constant 0 : i32
      %dma_wait3A_52 = arith.constant 0 : i32
      %dma_wait3A_53 = tpu.memref_slice %arg2[%dma_wait3A_51, %dma_wait3A_52] : memref<2600208x128xf32, #tpu.memory_space<hbm>> -> memref<2600208x128xf32, #tpu.memory_space<hbm>>
      tpu.wait_indirect_dma semaphore(%arg11 : memref<!tpu.dma_semaphore, #tpu.memory_space<semaphore_mem>>) src(%dma_wait3A_53 : memref<2600208x128xf32, #tpu.memory_space<hbm>>) dst(%arg7 : memref<128x128xf32, #tpu.memory_space<vmem>>)
      %scan3A_54 = arith.constant 0 : i32
      %scan3A_55 = arith.constant 0 : i32
      %scan3A_56 = arith.constant 8 : i32
      %scan3A_57 = arith.addi %scan3A_55, %scan3A_56 : i32
      %scan3A_58 = arith.constant 1 : i32
      scf.for %scan3A_63 = %scan3A_55 to %scan3A_57 step %scan3A_58  : i32 {
        %mul3A_64 = arith.constant 16 : i32
        %mul3A_65 = arith.muli %scan3A_63, %mul3A_64 : i32
        %add3A_66 = vector.broadcast %mul3A_65 : i32 to vector<16xi32>
        %add3A_67 = arith.addi %iota3A, %add3A_66 : vector<16xi32>
        %mul3A_68 = arith.constant 0 : i32
        %mul3A_69 = vector.broadcast %mul3A_68 : i32 to vector<16xi32>
        %mul3A_70 = arith.muli %iota3A, %mul3A_69 : vector<16xi32>
        %add3A_71 = arith.constant 0 : i32
        %add3A_72 = vector.broadcast %add3A_71 : i32 to vector<16xi32>
        %add3A_73 = arith.addi %mul3A_70, %add3A_72 : vector<16xi32>
        %gather3A = tpu.vector_load_idx %arg7[%add3A_67, %add3A_73] : memref<128x128xf32, #tpu.memory_space<vmem>>[vector<16xi32>, vector<16xi32>], vector<16xf32>,
        %mul3A_74 = arith.constant 0 : i32
        %mul3A_75 = vector.broadcast %mul3A_74 : i32 to vector<16xi32>
        %mul3A_76 = arith.muli %iota3A, %mul3A_75 : vector<16xi32>
        %add3A_77 = arith.constant 0 : i32
        %add3A_78 = vector.broadcast %add3A_77 : i32 to vector<16xi32>
        %add3A_79 = arith.addi %mul3A_76, %add3A_78 : vector<16xi32>
        tpu.vector_store_idx %arg9[%add3A_67, %add3A_79], %gather3A : memref<128x32xf32, #tpu.memory_space<vmem>>[vector<16xi32>, vector<16xi32>], vector<16xf32>,
        %mul3A_80 = arith.constant 0 : i32
        %mul3A_81 = vector.broadcast %mul3A_80 : i32 to vector<16xi32>
        %mul3A_82 = arith.muli %iota3A, %mul3A_81 : vector<16xi32>
        %add3A_83 = arith.constant 1 : i32
        %add3A_84 = vector.broadcast %add3A_83 : i32 to vector<16xi32>
        %add3A_85 = arith.addi %mul3A_82, %add3A_84 : vector<16xi32>
        %gather3A_86 = tpu.vector_load_idx %arg7[%add3A_67, %add3A_85] : memref<128x128xf32, #tpu.memory_space<vmem>>[vector<16xi32>, vector<16xi32>], vector<16xf32>,
        %mul3A_87 = arith.constant 0 : i32
        %mul3A_88 = vector.broadcast %mul3A_87 : i32 to vector<16xi32>
        %mul3A_89 = arith.muli %iota3A, %mul3A_88 : vector<16xi32>
        %add3A_90 = arith.constant 1 : i32
        %add3A_91 = vector.broadcast %add3A_90 : i32 to vector<16xi32>
        %add3A_92 = arith.addi %mul3A_89, %add3A_91 : vector<16xi32>
        tpu.vector_store_idx %arg9[%add3A_67, %add3A_92], %gather3A_86 : memref<128x32xf32, #tpu.memory_space<vmem>>[vector<16xi32>, vector<16xi32>], vector<16xf32>,
        %mul3A_93 = arith.constant 0 : i32
        %mul3A_94 = vector.broadcast %mul3A_93 : i32 to vector<16xi32>
        %mul3A_95 = arith.muli %iota3A, %mul3A_94 : vector<16xi32>
        %add3A_96 = arith.constant 2 : i32
        %add3A_97 = vector.broadcast %add3A_96 : i32 to vector<16xi32>
        %add3A_98 = arith.addi %mul3A_95, %add3A_97 : vector<16xi32>
        %gather3A_99 = tpu.vector_load_idx %arg7[%add3A_67, %add3A_98] : memref<128x128xf32, #tpu.memory_space<vmem>>[vector<16xi32>, vector<16xi32>], vector<16xf32>,
        %mul3A_100 = arith.constant 0 : i32
        %mul3A_101 = vector.broadcast %mul3A_100 : i32 to vector<16xi32>
        %mul3A_102 = arith.muli %iota3A, %mul3A_101 : vector<16xi32>
        %add3A_103 = arith.constant 2 : i32
        %add3A_104 = vector.broadcast %add3A_103 : i32 to vector<16xi32>
        %add3A_105 = arith.addi %mul3A_102, %add3A_104 : vector<16xi32>
        tpu.vector_store_idx %arg9[%add3A_67, %add3A_105], %gather3A_99 : memref<128x32xf32, #tpu.memory_space<vmem>>[vector<16xi32>, vector<16xi32>], vector<16xf32>,
        %mul3A_106 = arith.constant 0 : i32
        %mul3A_107 = vector.broadcast %mul3A_106 : i32 to vector<16xi32>
        %mul3A_108 = arith.muli %iota3A, %mul3A_107 : vector<16xi32>
        %add3A_109 = arith.constant 3 : i32
        %add3A_110 = vector.broadcast %add3A_109 : i32 to vector<16xi32>
        %add3A_111 = arith.addi %mul3A_108, %add3A_110 : vector<16xi32>
        %gather3A_112 = tpu.vector_load_idx %arg7[%add3A_67, %add3A_111] : memref<128x128xf32, #tpu.memory_space<vmem>>[vector<16xi32>, vector<16xi32>], vector<16xf32>,
        %mul3A_113 = arith.constant 0 : i32
        %mul3A_114 = vector.broadcast %mul3A_113 : i32 to vector<16xi32>
        %mul3A_115 = arith.muli %iota3A, %mul3A_114 : vector<16xi32>
        %add3A_116 = arith.constant 3 : i32
        %add3A_117 = vector.broadcast %add3A_116 : i32 to vector<16xi32>
        %add3A_118 = arith.addi %mul3A_115, %add3A_117 : vector<16xi32>
        tpu.vector_store_idx %arg9[%add3A_67, %add3A_118], %gather3A_112 : memref<128x32xf32, #tpu.memory_space<vmem>>[vector<16xi32>, vector<16xi32>], vector<16xf32>,
        %mul3A_119 = arith.constant 0 : i32
        %mul3A_120 = vector.broadcast %mul3A_119 : i32 to vector<16xi32>
        %mul3A_121 = arith.muli %iota3A, %mul3A_120 : vector<16xi32>
        %add3A_122 = arith.constant 4 : i32
        %add3A_123 = vector.broadcast %add3A_122 : i32 to vector<16xi32>
        %add3A_124 = arith.addi %mul3A_121, %add3A_123 : vector<16xi32>
        %gather3A_125 = tpu.vector_load_idx %arg7[%add3A_67, %add3A_124] : memref<128x128xf32, #tpu.memory_space<vmem>>[vector<16xi32>, vector<16xi32>], vector<16xf32>,
        %mul3A_126 = arith.constant 0 : i32
        %mul3A_127 = vector.broadcast %mul3A_126 : i32 to vector<16xi32>
        %mul3A_128 = arith.muli %iota3A, %mul3A_127 : vector<16xi32>
        %add3A_129 = arith.constant 4 : i32
        %add3A_130 = vector.broadcast %add3A_129 : i32 to vector<16xi32>
        %add3A_131 = arith.addi %mul3A_128, %add3A_130 : vector<16xi32>
        tpu.vector_store_idx %arg9[%add3A_67, %add3A_131], %gather3A_125 : memref<128x32xf32, #tpu.memory_space<vmem>>[vector<16xi32>, vector<16xi32>], vector<16xf32>,
        %mul3A_132 = arith.constant 0 : i32
        %mul3A_133 = vector.broadcast %mul3A_132 : i32 to vector<16xi32>
        %mul3A_134 = arith.muli %iota3A, %mul3A_133 : vector<16xi32>
        %add3A_135 = arith.constant 5 : i32
        %add3A_136 = vector.broadcast %add3A_135 : i32 to vector<16xi32>
        %add3A_137 = arith.addi %mul3A_134, %add3A_136 : vector<16xi32>
        %gather3A_138 = tpu.vector_load_idx %arg7[%add3A_67, %add3A_137] : memref<128x128xf32, #tpu.memory_space<vmem>>[vector<16xi32>, vector<16xi32>], vector<16xf32>,
        %mul3A_139 = arith.constant 0 : i32
        %mul3A_140 = vector.broadcast %mul3A_139 : i32 to vector<16xi32>
        %mul3A_141 = arith.muli %iota3A, %mul3A_140 : vector<16xi32>
        %add3A_142 = arith.constant 5 : i32
        %add3A_143 = vector.broadcast %add3A_142 : i32 to vector<16xi32>
        %add3A_144 = arith.addi %mul3A_141, %add3A_143 : vector<16xi32>
        tpu.vector_store_idx %arg9[%add3A_67, %add3A_144], %gather3A_138 : memref<128x32xf32, #tpu.memory_space<vmem>>[vector<16xi32>, vector<16xi32>], vector<16xf32>,
        %mul3A_145 = arith.constant 0 : i32
        %mul3A_146 = vector.broadcast %mul3A_145 : i32 to vector<16xi32>
        %mul3A_147 = arith.muli %iota3A, %mul3A_146 : vector<16xi32>
        %add3A_148 = arith.constant 6 : i32
        %add3A_149 = vector.broadcast %add3A_148 : i32 to vector<16xi32>
        %add3A_150 = arith.addi %mul3A_147, %add3A_149 : vector<16xi32>
        %gather3A_151 = tpu.vector_load_idx %arg7[%add3A_67, %add3A_150] : memref<128x128xf32, #tpu.memory_space<vmem>>[vector<16xi32>, vector<16xi32>], vector<16xf32>,
        %mul3A_152 = arith.constant 0 : i32
        %mul3A_153 = vector.broadcast %mul3A_152 : i32 to vector<16xi32>
        %mul3A_154 = arith.muli %iota3A, %mul3A_153 : vector<16xi32>
        %add3A_155 = arith.constant 6 : i32
        %add3A_156 = vector.broadcast %add3A_155 : i32 to vector<16xi32>
        %add3A_157 = arith.addi %mul3A_154, %add3A_156 : vector<16xi32>
        tpu.vector_store_idx %arg9[%add3A_67, %add3A_157], %gather3A_151 : memref<128x32xf32, #tpu.memory_space<vmem>>[vector<16xi32>, vector<16xi32>], vector<16xf32>,
        %mul3A_158 = arith.constant 0 : i32
        %mul3A_159 = vector.broadcast %mul3A_158 : i32 to vector<16xi32>
        %mul3A_160 = arith.muli %iota3A, %mul3A_159 : vector<16xi32>
        %add3A_161 = arith.constant 7 : i32
        %add3A_162 = vector.broadcast %add3A_161 : i32 to vector<16xi32>
        %add3A_163 = arith.addi %mul3A_160, %add3A_162 : vector<16xi32>
        %gather3A_164 = tpu.vector_load_idx %arg7[%add3A_67, %add3A_163] : memref<128x128xf32, #tpu.memory_space<vmem>>[vector<16xi32>, vector<16xi32>], vector<16xf32>,
        %mul3A_165 = arith.constant 0 : i32
        %mul3A_166 = vector.broadcast %mul3A_165 : i32 to vector<16xi32>
        %mul3A_167 = arith.muli %iota3A, %mul3A_166 : vector<16xi32>
        %add3A_168 = arith.constant 7 : i32
        %add3A_169 = vector.broadcast %add3A_168 : i32 to vector<16xi32>
        %add3A_170 = arith.addi %mul3A_167, %add3A_169 : vector<16xi32>
        tpu.vector_store_idx %arg9[%add3A_67, %add3A_170], %gather3A_164 : memref<128x32xf32, #tpu.memory_space<vmem>>[vector<16xi32>, vector<16xi32>], vector<16xf32>,
        %mul3A_171 = arith.constant 0 : i32
        %mul3A_172 = vector.broadcast %mul3A_171 : i32 to vector<16xi32>
        %mul3A_173 = arith.muli %iota3A, %mul3A_172 : vector<16xi32>
        %add3A_174 = arith.constant 8 : i32
        %add3A_175 = vector.broadcast %add3A_174 : i32 to vector<16xi32>
        %add3A_176 = arith.addi %mul3A_173, %add3A_175 : vector<16xi32>
        %gather3A_177 = tpu.vector_load_idx %arg7[%add3A_67, %add3A_176] : memref<128x128xf32, #tpu.memory_space<vmem>>[vector<16xi32>, vector<16xi32>], vector<16xf32>,
        %mul3A_178 = arith.constant 0 : i32
        %mul3A_179 = vector.broadcast %mul3A_178 : i32 to vector<16xi32>
        %mul3A_180 = arith.muli %iota3A, %mul3A_179 : vector<16xi32>
        %add3A_181 = arith.constant 8 : i32
        %add3A_182 = vector.broadcast %add3A_181 : i32 to vector<16xi32>
        %add3A_183 = arith.addi %mul3A_180, %add3A_182 : vector<16xi32>
        tpu.vector_store_idx %arg9[%add3A_67, %add3A_183], %gather3A_177 : memref<128x32xf32, #tpu.memory_space<vmem>>[vector<16xi32>, vector<16xi32>], vector<16xf32>,
        %mul3A_184 = arith.constant 0 : i32
        %mul3A_185 = vector.broadcast %mul3A_184 : i32 to vector<16xi32>
        %mul3A_186 = arith.muli %iota3A, %mul3A_185 : vector<16xi32>
        %add3A_187 = arith.constant 9 : i32
        %add3A_188 = vector.broadcast %add3A_187 : i32 to vector<16xi32>
        %add3A_189 = arith.addi %mul3A_186, %add3A_188 : vector<16xi32>
        %gather3A_190 = tpu.vector_load_idx %arg7[%add3A_67, %add3A_189] : memref<128x128xf32, #tpu.memory_space<vmem>>[vector<16xi32>, vector<16xi32>], vector<16xf32>,
        %mul3A_191 = arith.constant 0 : i32
        %mul3A_192 = vector.broadcast %mul3A_191 : i32 to vector<16xi32>
        %mul3A_193 = arith.muli %iota3A, %mul3A_192 : vector<16xi32>
        %add3A_194 = arith.constant 9 : i32
        %add3A_195 = vector.broadcast %add3A_194 : i32 to vector<16xi32>
        %add3A_196 = arith.addi %mul3A_193, %add3A_195 : vector<16xi32>
        tpu.vector_store_idx %arg9[%add3A_67, %add3A_196], %gather3A_190 : memref<128x32xf32, #tpu.memory_space<vmem>>[vector<16xi32>, vector<16xi32>], vector<16xf32>,
        %mul3A_197 = arith.constant 0 : i32
        %mul3A_198 = vector.broadcast %mul3A_197 : i32 to vector<16xi32>
        %mul3A_199 = arith.muli %iota3A, %mul3A_198 : vector<16xi32>
        %add3A_200 = arith.constant 10 : i32
        %add3A_201 = vector.broadcast %add3A_200 : i32 to vector<16xi32>
        %add3A_202 = arith.addi %mul3A_199, %add3A_201 : vector<16xi32>
        %gather3A_203 = tpu.vector_load_idx %arg7[%add3A_67, %add3A_202] : memref<128x128xf32, #tpu.memory_space<vmem>>[vector<16xi32>, vector<16xi32>], vector<16xf32>,
        %mul3A_204 = arith.constant 0 : i32
        %mul3A_205 = vector.broadcast %mul3A_204 : i32 to vector<16xi32>
        %mul3A_206 = arith.muli %iota3A, %mul3A_205 : vector<16xi32>
        %add3A_207 = arith.constant 10 : i32
        %add3A_208 = vector.broadcast %add3A_207 : i32 to vector<16xi32>
        %add3A_209 = arith.addi %mul3A_206, %add3A_208 : vector<16xi32>
        tpu.vector_store_idx %arg9[%add3A_67, %add3A_209], %gather3A_203 : memref<128x32xf32, #tpu.memory_space<vmem>>[vector<16xi32>, vector<16xi32>], vector<16xf32>,
        %mul3A_210 = arith.constant 0 : i32
        %mul3A_211 = vector.broadcast %mul3A_210 : i32 to vector<16xi32>
        %mul3A_212 = arith.muli %iota3A, %mul3A_211 : vector<16xi32>
        %add3A_213 = arith.constant 11 : i32
        %add3A_214 = vector.broadcast %add3A_213 : i32 to vector<16xi32>
        %add3A_215 = arith.addi %mul3A_212, %add3A_214 : vector<16xi32>
        %gather3A_216 = tpu.vector_load_idx %arg7[%add3A_67, %add3A_215] : memref<128x128xf32, #tpu.memory_space<vmem>>[vector<16xi32>, vector<16xi32>], vector<16xf32>,
        %mul3A_217 = arith.constant 0 : i32
        %mul3A_218 = vector.broadcast %mul3A_217 : i32 to vector<16xi32>
        %mul3A_219 = arith.muli %iota3A, %mul3A_218 : vector<16xi32>
        %add3A_220 = arith.constant 11 : i32
        %add3A_221 = vector.broadcast %add3A_220 : i32 to vector<16xi32>
        %add3A_222 = arith.addi %mul3A_219, %add3A_221 : vector<16xi32>
        tpu.vector_store_idx %arg9[%add3A_67, %add3A_222], %gather3A_216 : memref<128x32xf32, #tpu.memory_space<vmem>>[vector<16xi32>, vector<16xi32>], vector<16xf32>,
        %mul3A_223 = arith.constant 0 : i32
        %mul3A_224 = vector.broadcast %mul3A_223 : i32 to vector<16xi32>
        %mul3A_225 = arith.muli %iota3A, %mul3A_224 : vector<16xi32>
        %add3A_226 = arith.constant 12 : i32
        %add3A_227 = vector.broadcast %add3A_226 : i32 to vector<16xi32>
        %add3A_228 = arith.addi %mul3A_225, %add3A_227 : vector<16xi32>
        %gather3A_229 = tpu.vector_load_idx %arg7[%add3A_67, %add3A_228] : memref<128x128xf32, #tpu.memory_space<vmem>>[vector<16xi32>, vector<16xi32>], vector<16xf32>,
        %mul3A_230 = arith.constant 0 : i32
        %mul3A_231 = vector.broadcast %mul3A_230 : i32 to vector<16xi32>
        %mul3A_232 = arith.muli %iota3A, %mul3A_231 : vector<16xi32>
        %add3A_233 = arith.constant 12 : i32
        %add3A_234 = vector.broadcast %add3A_233 : i32 to vector<16xi32>
        %add3A_235 = arith.addi %mul3A_232, %add3A_234 : vector<16xi32>
        tpu.vector_store_idx %arg9[%add3A_67, %add3A_235], %gather3A_229 : memref<128x32xf32, #tpu.memory_space<vmem>>[vector<16xi32>, vector<16xi32>], vector<16xf32>,
        %mul3A_236 = arith.constant 0 : i32
        %mul3A_237 = vector.broadcast %mul3A_236 : i32 to vector<16xi32>
        %mul3A_238 = arith.muli %iota3A, %mul3A_237 : vector<16xi32>
        %add3A_239 = arith.constant 13 : i32
        %add3A_240 = vector.broadcast %add3A_239 : i32 to vector<16xi32>
        %add3A_241 = arith.addi %mul3A_238, %add3A_240 : vector<16xi32>
        %gather3A_242 = tpu.vector_load_idx %arg7[%add3A_67, %add3A_241] : memref<128x128xf32, #tpu.memory_space<vmem>>[vector<16xi32>, vector<16xi32>], vector<16xf32>,
        %mul3A_243 = arith.constant 0 : i32
        %mul3A_244 = vector.broadcast %mul3A_243 : i32 to vector<16xi32>
        %mul3A_245 = arith.muli %iota3A, %mul3A_244 : vector<16xi32>
        %add3A_246 = arith.constant 13 : i32
        %add3A_247 = vector.broadcast %add3A_246 : i32 to vector<16xi32>
        %add3A_248 = arith.addi %mul3A_245, %add3A_247 : vector<16xi32>
        tpu.vector_store_idx %arg9[%add3A_67, %add3A_248], %gather3A_242 : memref<128x32xf32, #tpu.memory_space<vmem>>[vector<16xi32>, vector<16xi32>], vector<16xf32>,
        %mul3A_249 = arith.constant 0 : i32
        %mul3A_250 = vector.broadcast %mul3A_249 : i32 to vector<16xi32>
        %mul3A_251 = arith.muli %iota3A, %mul3A_250 : vector<16xi32>
        %add3A_252 = arith.constant 14 : i32
        %add3A_253 = vector.broadcast %add3A_252 : i32 to vector<16xi32>
        %add3A_254 = arith.addi %mul3A_251, %add3A_253 : vector<16xi32>
        %gather3A_255 = tpu.vector_load_idx %arg7[%add3A_67, %add3A_254] : memref<128x128xf32, #tpu.memory_space<vmem>>[vector<16xi32>, vector<16xi32>], vector<16xf32>,
        %mul3A_256 = arith.constant 0 : i32
        %mul3A_257 = vector.broadcast %mul3A_256 : i32 to vector<16xi32>
        %mul3A_258 = arith.muli %iota3A, %mul3A_257 : vector<16xi32>
        %add3A_259 = arith.constant 14 : i32
        %add3A_260 = vector.broadcast %add3A_259 : i32 to vector<16xi32>
        %add3A_261 = arith.addi %mul3A_258, %add3A_260 : vector<16xi32>
        tpu.vector_store_idx %arg9[%add3A_67, %add3A_261], %gather3A_255 : memref<128x32xf32, #tpu.memory_space<vmem>>[vector<16xi32>, vector<16xi32>], vector<16xf32>,
        %mul3A_262 = arith.constant 0 : i32
        %mul3A_263 = vector.broadcast %mul3A_262 : i32 to vector<16xi32>
        %mul3A_264 = arith.muli %iota3A, %mul3A_263 : vector<16xi32>
        %add3A_265 = arith.constant 15 : i32
        %add3A_266 = vector.broadcast %add3A_265 : i32 to vector<16xi32>
        %add3A_267 = arith.addi %mul3A_264, %add3A_266 : vector<16xi32>
        %gather3A_268 = tpu.vector_load_idx %arg7[%add3A_67, %add3A_267] : memref<128x128xf32, #tpu.memory_space<vmem>>[vector<16xi32>, vector<16xi32>], vector<16xf32>,
        %mul3A_269 = arith.constant 0 : i32
        %mul3A_270 = vector.broadcast %mul3A_269 : i32 to vector<16xi32>
        %mul3A_271 = arith.muli %iota3A, %mul3A_270 : vector<16xi32>
        %add3A_272 = arith.constant 15 : i32
        %add3A_273 = vector.broadcast %add3A_272 : i32 to vector<16xi32>
        %add3A_274 = arith.addi %mul3A_271, %add3A_273 : vector<16xi32>
        tpu.vector_store_idx %arg9[%add3A_67, %add3A_274], %gather3A_268 : memref<128x32xf32, #tpu.memory_space<vmem>>[vector<16xi32>, vector<16xi32>], vector<16xf32>,
        %mul3A_275 = arith.constant 0 : i32
        %mul3A_276 = vector.broadcast %mul3A_275 : i32 to vector<16xi32>
        %mul3A_277 = arith.muli %iota3A, %mul3A_276 : vector<16xi32>
        %add3A_278 = arith.constant 16 : i32
        %add3A_279 = vector.broadcast %add3A_278 : i32 to vector<16xi32>
        %add3A_280 = arith.addi %mul3A_277, %add3A_279 : vector<16xi32>
        %gather3A_281 = tpu.vector_load_idx %arg7[%add3A_67, %add3A_280] : memref<128x128xf32, #tpu.memory_space<vmem>>[vector<16xi32>, vector<16xi32>], vector<16xf32>,
        %mul3A_282 = arith.constant 0 : i32
        %mul3A_283 = vector.broadcast %mul3A_282 : i32 to vector<16xi32>
        %mul3A_284 = arith.muli %iota3A, %mul3A_283 : vector<16xi32>
        %add3A_285 = arith.constant 16 : i32
        %add3A_286 = vector.broadcast %add3A_285 : i32 to vector<16xi32>
        %add3A_287 = arith.addi %mul3A_284, %add3A_286 : vector<16xi32>
        tpu.vector_store_idx %arg9[%add3A_67, %add3A_287], %gather3A_281 : memref<128x32xf32, #tpu.memory_space<vmem>>[vector<16xi32>, vector<16xi32>], vector<16xf32>,
        %mul3A_288 = arith.constant 0 : i32
        %mul3A_289 = vector.broadcast %mul3A_288 : i32 to vector<16xi32>
        %mul3A_290 = arith.muli %iota3A, %mul3A_289 : vector<16xi32>
        %add3A_291 = arith.constant 17 : i32
        %add3A_292 = vector.broadcast %add3A_291 : i32 to vector<16xi32>
        %add3A_293 = arith.addi %mul3A_290, %add3A_292 : vector<16xi32>
        %gather3A_294 = tpu.vector_load_idx %arg7[%add3A_67, %add3A_293] : memref<128x128xf32, #tpu.memory_space<vmem>>[vector<16xi32>, vector<16xi32>], vector<16xf32>,
        %mul3A_295 = arith.constant 0 : i32
        %mul3A_296 = vector.broadcast %mul3A_295 : i32 to vector<16xi32>
        %mul3A_297 = arith.muli %iota3A, %mul3A_296 : vector<16xi32>
        %add3A_298 = arith.constant 17 : i32
        %add3A_299 = vector.broadcast %add3A_298 : i32 to vector<16xi32>
        %add3A_300 = arith.addi %mul3A_297, %add3A_299 : vector<16xi32>
        tpu.vector_store_idx %arg9[%add3A_67, %add3A_300], %gather3A_294 : memref<128x32xf32, #tpu.memory_space<vmem>>[vector<16xi32>, vector<16xi32>], vector<16xf32>,
        %mul3A_301 = arith.constant 0 : i32
        %mul3A_302 = vector.broadcast %mul3A_301 : i32 to vector<16xi32>
        %mul3A_303 = arith.muli %iota3A, %mul3A_302 : vector<16xi32>
        %add3A_304 = arith.constant 18 : i32
        %add3A_305 = vector.broadcast %add3A_304 : i32 to vector<16xi32>
        %add3A_306 = arith.addi %mul3A_303, %add3A_305 : vector<16xi32>
        %gather3A_307 = tpu.vector_load_idx %arg7[%add3A_67, %add3A_306] : memref<128x128xf32, #tpu.memory_space<vmem>>[vector<16xi32>, vector<16xi32>], vector<16xf32>,
        %mul3A_308 = arith.constant 0 : i32
        %mul3A_309 = vector.broadcast %mul3A_308 : i32 to vector<16xi32>
        %mul3A_310 = arith.muli %iota3A, %mul3A_309 : vector<16xi32>
        %add3A_311 = arith.constant 18 : i32
        %add3A_312 = vector.broadcast %add3A_311 : i32 to vector<16xi32>
        %add3A_313 = arith.addi %mul3A_310, %add3A_312 : vector<16xi32>
        tpu.vector_store_idx %arg9[%add3A_67, %add3A_313], %gather3A_307 : memref<128x32xf32, #tpu.memory_space<vmem>>[vector<16xi32>, vector<16xi32>], vector<16xf32>,
        %mul3A_314 = arith.constant 0 : i32
        %mul3A_315 = vector.broadcast %mul3A_314 : i32 to vector<16xi32>
        %mul3A_316 = arith.muli %iota3A, %mul3A_315 : vector<16xi32>
        %add3A_317 = arith.constant 19 : i32
        %add3A_318 = vector.broadcast %add3A_317 : i32 to vector<16xi32>
        %add3A_319 = arith.addi %mul3A_316, %add3A_318 : vector<16xi32>
        %gather3A_320 = tpu.vector_load_idx %arg7[%add3A_67, %add3A_319] : memref<128x128xf32, #tpu.memory_space<vmem>>[vector<16xi32>, vector<16xi32>], vector<16xf32>,
        %mul3A_321 = arith.constant 0 : i32
        %mul3A_322 = vector.broadcast %mul3A_321 : i32 to vector<16xi32>
        %mul3A_323 = arith.muli %iota3A, %mul3A_322 : vector<16xi32>
        %add3A_324 = arith.constant 19 : i32
        %add3A_325 = vector.broadcast %add3A_324 : i32 to vector<16xi32>
        %add3A_326 = arith.addi %mul3A_323, %add3A_325 : vector<16xi32>
        tpu.vector_store_idx %arg9[%add3A_67, %add3A_326], %gather3A_320 : memref<128x32xf32, #tpu.memory_space<vmem>>[vector<16xi32>, vector<16xi32>], vector<16xf32>,
        %mul3A_327 = arith.constant 0 : i32
        %mul3A_328 = vector.broadcast %mul3A_327 : i32 to vector<16xi32>
        %mul3A_329 = arith.muli %iota3A, %mul3A_328 : vector<16xi32>
        %add3A_330 = arith.constant 20 : i32
        %add3A_331 = vector.broadcast %add3A_330 : i32 to vector<16xi32>
        %add3A_332 = arith.addi %mul3A_329, %add3A_331 : vector<16xi32>
        %gather3A_333 = tpu.vector_load_idx %arg7[%add3A_67, %add3A_332] : memref<128x128xf32, #tpu.memory_space<vmem>>[vector<16xi32>, vector<16xi32>], vector<16xf32>,
        %mul3A_334 = arith.constant 0 : i32
        %mul3A_335 = vector.broadcast %mul3A_334 : i32 to vector<16xi32>
        %mul3A_336 = arith.muli %iota3A, %mul3A_335 : vector<16xi32>
        %add3A_337 = arith.constant 20 : i32
        %add3A_338 = vector.broadcast %add3A_337 : i32 to vector<16xi32>
        %add3A_339 = arith.addi %mul3A_336, %add3A_338 : vector<16xi32>
        tpu.vector_store_idx %arg9[%add3A_67, %add3A_339], %gather3A_333 : memref<128x32xf32, #tpu.memory_space<vmem>>[vector<16xi32>, vector<16xi32>], vector<16xf32>,
        %mul3A_340 = arith.constant 0 : i32
        %mul3A_341 = vector.broadcast %mul3A_340 : i32 to vector<16xi32>
        %mul3A_342 = arith.muli %iota3A, %mul3A_341 : vector<16xi32>
        %add3A_343 = arith.constant 21 : i32
        %add3A_344 = vector.broadcast %add3A_343 : i32 to vector<16xi32>
        %add3A_345 = arith.addi %mul3A_342, %add3A_344 : vector<16xi32>
        %gather3A_346 = tpu.vector_load_idx %arg7[%add3A_67, %add3A_345] : memref<128x128xf32, #tpu.memory_space<vmem>>[vector<16xi32>, vector<16xi32>], vector<16xf32>,
        %mul3A_347 = arith.constant 0 : i32
        %mul3A_348 = vector.broadcast %mul3A_347 : i32 to vector<16xi32>
        %mul3A_349 = arith.muli %iota3A, %mul3A_348 : vector<16xi32>
        %add3A_350 = arith.constant 21 : i32
        %add3A_351 = vector.broadcast %add3A_350 : i32 to vector<16xi32>
        %add3A_352 = arith.addi %mul3A_349, %add3A_351 : vector<16xi32>
        tpu.vector_store_idx %arg9[%add3A_67, %add3A_352], %gather3A_346 : memref<128x32xf32, #tpu.memory_space<vmem>>[vector<16xi32>, vector<16xi32>], vector<16xf32>,
        %mul3A_353 = arith.constant 0 : i32
        %mul3A_354 = vector.broadcast %mul3A_353 : i32 to vector<16xi32>
        %mul3A_355 = arith.muli %iota3A, %mul3A_354 : vector<16xi32>
        %add3A_356 = arith.constant 22 : i32
        %add3A_357 = vector.broadcast %add3A_356 : i32 to vector<16xi32>
        %add3A_358 = arith.addi %mul3A_355, %add3A_357 : vector<16xi32>
        %gather3A_359 = tpu.vector_load_idx %arg7[%add3A_67, %add3A_358] : memref<128x128xf32, #tpu.memory_space<vmem>>[vector<16xi32>, vector<16xi32>], vector<16xf32>,
        %mul3A_360 = arith.constant 0 : i32
        %mul3A_361 = vector.broadcast %mul3A_360 : i32 to vector<16xi32>
        %mul3A_362 = arith.muli %iota3A, %mul3A_361 : vector<16xi32>
        %add3A_363 = arith.constant 22 : i32
        %add3A_364 = vector.broadcast %add3A_363 : i32 to vector<16xi32>
        %add3A_365 = arith.addi %mul3A_362, %add3A_364 : vector<16xi32>
        tpu.vector_store_idx %arg9[%add3A_67, %add3A_365], %gather3A_359 : memref<128x32xf32, #tpu.memory_space<vmem>>[vector<16xi32>, vector<16xi32>], vector<16xf32>,
        %mul3A_366 = arith.constant 0 : i32
        %mul3A_367 = vector.broadcast %mul3A_366 : i32 to vector<16xi32>
        %mul3A_368 = arith.muli %iota3A, %mul3A_367 : vector<16xi32>
        %add3A_369 = arith.constant 23 : i32
        %add3A_370 = vector.broadcast %add3A_369 : i32 to vector<16xi32>
        %add3A_371 = arith.addi %mul3A_368, %add3A_370 : vector<16xi32>
        %gather3A_372 = tpu.vector_load_idx %arg7[%add3A_67, %add3A_371] : memref<128x128xf32, #tpu.memory_space<vmem>>[vector<16xi32>, vector<16xi32>], vector<16xf32>,
        %mul3A_373 = arith.constant 0 : i32
        %mul3A_374 = vector.broadcast %mul3A_373 : i32 to vector<16xi32>
        %mul3A_375 = arith.muli %iota3A, %mul3A_374 : vector<16xi32>
        %add3A_376 = arith.constant 23 : i32
        %add3A_377 = vector.broadcast %add3A_376 : i32 to vector<16xi32>
        %add3A_378 = arith.addi %mul3A_375, %add3A_377 : vector<16xi32>
        tpu.vector_store_idx %arg9[%add3A_67, %add3A_378], %gather3A_372 : memref<128x32xf32, #tpu.memory_space<vmem>>[vector<16xi32>, vector<16xi32>], vector<16xf32>,
        %mul3A_379 = arith.constant 0 : i32
        %mul3A_380 = vector.broadcast %mul3A_379 : i32 to vector<16xi32>
        %mul3A_381 = arith.muli %iota3A, %mul3A_380 : vector<16xi32>
        %add3A_382 = arith.constant 24 : i32
        %add3A_383 = vector.broadcast %add3A_382 : i32 to vector<16xi32>
        %add3A_384 = arith.addi %mul3A_381, %add3A_383 : vector<16xi32>
        %gather3A_385 = tpu.vector_load_idx %arg7[%add3A_67, %add3A_384] : memref<128x128xf32, #tpu.memory_space<vmem>>[vector<16xi32>, vector<16xi32>], vector<16xf32>,
        %mul3A_386 = arith.constant 0 : i32
        %mul3A_387 = vector.broadcast %mul3A_386 : i32 to vector<16xi32>
        %mul3A_388 = arith.muli %iota3A, %mul3A_387 : vector<16xi32>
        %add3A_389 = arith.constant 24 : i32
        %add3A_390 = vector.broadcast %add3A_389 : i32 to vector<16xi32>
        %add3A_391 = arith.addi %mul3A_388, %add3A_390 : vector<16xi32>
        tpu.vector_store_idx %arg9[%add3A_67, %add3A_391], %gather3A_385 : memref<128x32xf32, #tpu.memory_space<vmem>>[vector<16xi32>, vector<16xi32>], vector<16xf32>,
        %mul3A_392 = arith.constant 0 : i32
        %mul3A_393 = vector.broadcast %mul3A_392 : i32 to vector<16xi32>
        %mul3A_394 = arith.muli %iota3A, %mul3A_393 : vector<16xi32>
        %add3A_395 = arith.constant 25 : i32
        %add3A_396 = vector.broadcast %add3A_395 : i32 to vector<16xi32>
        %add3A_397 = arith.addi %mul3A_394, %add3A_396 : vector<16xi32>
        %gather3A_398 = tpu.vector_load_idx %arg7[%add3A_67, %add3A_397] : memref<128x128xf32, #tpu.memory_space<vmem>>[vector<16xi32>, vector<16xi32>], vector<16xf32>,
        %mul3A_399 = arith.constant 0 : i32
        %mul3A_400 = vector.broadcast %mul3A_399 : i32 to vector<16xi32>
        %mul3A_401 = arith.muli %iota3A, %mul3A_400 : vector<16xi32>
        %add3A_402 = arith.constant 25 : i32
        %add3A_403 = vector.broadcast %add3A_402 : i32 to vector<16xi32>
        %add3A_404 = arith.addi %mul3A_401, %add3A_403 : vector<16xi32>
        tpu.vector_store_idx %arg9[%add3A_67, %add3A_404], %gather3A_398 : memref<128x32xf32, #tpu.memory_space<vmem>>[vector<16xi32>, vector<16xi32>], vector<16xf32>,
        %mul3A_405 = arith.constant 0 : i32
        %mul3A_406 = vector.broadcast %mul3A_405 : i32 to vector<16xi32>
        %mul3A_407 = arith.muli %iota3A, %mul3A_406 : vector<16xi32>
        %add3A_408 = arith.constant 26 : i32
        %add3A_409 = vector.broadcast %add3A_408 : i32 to vector<16xi32>
        %add3A_410 = arith.addi %mul3A_407, %add3A_409 : vector<16xi32>
        %gather3A_411 = tpu.vector_load_idx %arg7[%add3A_67, %add3A_410] : memref<128x128xf32, #tpu.memory_space<vmem>>[vector<16xi32>, vector<16xi32>], vector<16xf32>,
        %mul3A_412 = arith.constant 0 : i32
        %mul3A_413 = vector.broadcast %mul3A_412 : i32 to vector<16xi32>
        %mul3A_414 = arith.muli %iota3A, %mul3A_413 : vector<16xi32>
        %add3A_415 = arith.constant 26 : i32
        %add3A_416 = vector.broadcast %add3A_415 : i32 to vector<16xi32>
        %add3A_417 = arith.addi %mul3A_414, %add3A_416 : vector<16xi32>
        tpu.vector_store_idx %arg9[%add3A_67, %add3A_417], %gather3A_411 : memref<128x32xf32, #tpu.memory_space<vmem>>[vector<16xi32>, vector<16xi32>], vector<16xf32>,
        %mul3A_418 = arith.constant 0 : i32
        %mul3A_419 = vector.broadcast %mul3A_418 : i32 to vector<16xi32>
        %mul3A_420 = arith.muli %iota3A, %mul3A_419 : vector<16xi32>
        %add3A_421 = arith.constant 27 : i32
        %add3A_422 = vector.broadcast %add3A_421 : i32 to vector<16xi32>
        %add3A_423 = arith.addi %mul3A_420, %add3A_422 : vector<16xi32>
        %gather3A_424 = tpu.vector_load_idx %arg7[%add3A_67, %add3A_423] : memref<128x128xf32, #tpu.memory_space<vmem>>[vector<16xi32>, vector<16xi32>], vector<16xf32>,
        %mul3A_425 = arith.constant 0 : i32
        %mul3A_426 = vector.broadcast %mul3A_425 : i32 to vector<16xi32>
        %mul3A_427 = arith.muli %iota3A, %mul3A_426 : vector<16xi32>
        %add3A_428 = arith.constant 27 : i32
        %add3A_429 = vector.broadcast %add3A_428 : i32 to vector<16xi32>
        %add3A_430 = arith.addi %mul3A_427, %add3A_429 : vector<16xi32>
        tpu.vector_store_idx %arg9[%add3A_67, %add3A_430], %gather3A_424 : memref<128x32xf32, #tpu.memory_space<vmem>>[vector<16xi32>, vector<16xi32>], vector<16xf32>,
        %mul3A_431 = arith.constant 0 : i32
        %mul3A_432 = vector.broadcast %mul3A_431 : i32 to vector<16xi32>
        %mul3A_433 = arith.muli %iota3A, %mul3A_432 : vector<16xi32>
        %add3A_434 = arith.constant 28 : i32
        %add3A_435 = vector.broadcast %add3A_434 : i32 to vector<16xi32>
        %add3A_436 = arith.addi %mul3A_433, %add3A_435 : vector<16xi32>
        %gather3A_437 = tpu.vector_load_idx %arg7[%add3A_67, %add3A_436] : memref<128x128xf32, #tpu.memory_space<vmem>>[vector<16xi32>, vector<16xi32>], vector<16xf32>,
        %mul3A_438 = arith.constant 0 : i32
        %mul3A_439 = vector.broadcast %mul3A_438 : i32 to vector<16xi32>
        %mul3A_440 = arith.muli %iota3A, %mul3A_439 : vector<16xi32>
        %add3A_441 = arith.constant 28 : i32
        %add3A_442 = vector.broadcast %add3A_441 : i32 to vector<16xi32>
        %add3A_443 = arith.addi %mul3A_440, %add3A_442 : vector<16xi32>
        tpu.vector_store_idx %arg9[%add3A_67, %add3A_443], %gather3A_437 : memref<128x32xf32, #tpu.memory_space<vmem>>[vector<16xi32>, vector<16xi32>], vector<16xf32>,
        %mul3A_444 = arith.constant 0 : i32
        %mul3A_445 = vector.broadcast %mul3A_444 : i32 to vector<16xi32>
        %mul3A_446 = arith.muli %iota3A, %mul3A_445 : vector<16xi32>
        %add3A_447 = arith.constant 29 : i32
        %add3A_448 = vector.broadcast %add3A_447 : i32 to vector<16xi32>
        %add3A_449 = arith.addi %mul3A_446, %add3A_448 : vector<16xi32>
        %gather3A_450 = tpu.vector_load_idx %arg7[%add3A_67, %add3A_449] : memref<128x128xf32, #tpu.memory_space<vmem>>[vector<16xi32>, vector<16xi32>], vector<16xf32>,
        %mul3A_451 = arith.constant 0 : i32
        %mul3A_452 = vector.broadcast %mul3A_451 : i32 to vector<16xi32>
        %mul3A_453 = arith.muli %iota3A, %mul3A_452 : vector<16xi32>
        %add3A_454 = arith.constant 29 : i32
        %add3A_455 = vector.broadcast %add3A_454 : i32 to vector<16xi32>
        %add3A_456 = arith.addi %mul3A_453, %add3A_455 : vector<16xi32>
        tpu.vector_store_idx %arg9[%add3A_67, %add3A_456], %gather3A_450 : memref<128x32xf32, #tpu.memory_space<vmem>>[vector<16xi32>, vector<16xi32>], vector<16xf32>,
        %mul3A_457 = arith.constant 0 : i32
        %mul3A_458 = vector.broadcast %mul3A_457 : i32 to vector<16xi32>
        %mul3A_459 = arith.muli %iota3A, %mul3A_458 : vector<16xi32>
        %add3A_460 = arith.constant 30 : i32
        %add3A_461 = vector.broadcast %add3A_460 : i32 to vector<16xi32>
        %add3A_462 = arith.addi %mul3A_459, %add3A_461 : vector<16xi32>
        %gather3A_463 = tpu.vector_load_idx %arg7[%add3A_67, %add3A_462] : memref<128x128xf32, #tpu.memory_space<vmem>>[vector<16xi32>, vector<16xi32>], vector<16xf32>,
        %mul3A_464 = arith.constant 0 : i32
        %mul3A_465 = vector.broadcast %mul3A_464 : i32 to vector<16xi32>
        %mul3A_466 = arith.muli %iota3A, %mul3A_465 : vector<16xi32>
        %add3A_467 = arith.constant 30 : i32
        %add3A_468 = vector.broadcast %add3A_467 : i32 to vector<16xi32>
        %add3A_469 = arith.addi %mul3A_466, %add3A_468 : vector<16xi32>
        tpu.vector_store_idx %arg9[%add3A_67, %add3A_469], %gather3A_463 : memref<128x32xf32, #tpu.memory_space<vmem>>[vector<16xi32>, vector<16xi32>], vector<16xf32>,
        %mul3A_470 = arith.constant 0 : i32
        %mul3A_471 = vector.broadcast %mul3A_470 : i32 to vector<16xi32>
        %mul3A_472 = arith.muli %iota3A, %mul3A_471 : vector<16xi32>
        %add3A_473 = arith.constant 31 : i32
        %add3A_474 = vector.broadcast %add3A_473 : i32 to vector<16xi32>
        %add3A_475 = arith.addi %mul3A_472, %add3A_474 : vector<16xi32>
        %gather3A_476 = tpu.vector_load_idx %arg7[%add3A_67, %add3A_475] : memref<128x128xf32, #tpu.memory_space<vmem>>[vector<16xi32>, vector<16xi32>], vector<16xf32>,
        %mul3A_477 = arith.constant 0 : i32
        %mul3A_478 = vector.broadcast %mul3A_477 : i32 to vector<16xi32>
        %mul3A_479 = arith.muli %iota3A, %mul3A_478 : vector<16xi32>
        %add3A_480 = arith.constant 31 : i32
        %add3A_481 = vector.broadcast %add3A_480 : i32 to vector<16xi32>
        %add3A_482 = arith.addi %mul3A_479, %add3A_481 : vector<16xi32>
        tpu.vector_store_idx %arg9[%add3A_67, %add3A_482], %gather3A_476 : memref<128x32xf32, #tpu.memory_space<vmem>>[vector<16xi32>, vector<16xi32>], vector<16xf32>,
      }
      %scan3A_59 = arith.constant 8 : i32
      %mul3A_60 = arith.constant 128 : i32
      %mul3A_61 = arith.muli %add3A_40, %mul3A_60 : i32
      %add3A_62 = arith.addi %mul3A_2, %mul3A_61 : i32
      "tpu.region"() ({
        %run_scoped3A = tpu.sem_alloc : memref<!tpu.dma_semaphore, #tpu.memory_space<semaphore_mem>>
        %dma_start3A_63 = arith.constant 0 : i32
        %dma_start3A_64 = tpu.memref_slice %arg4[%add3A_62, %dma_start3A_63] : memref<425984x32xf32, #tpu.memory_space<hbm>> -> memref<128x32xf32, #tpu.memory_space<hbm>>
        %dma_start3A_65 = arith.constant 0 : i32
        %dma_start3A_66 = tpu.memref_slice %arg4[%add3A_62, %dma_start3A_65] : memref<425984x32xf32, #tpu.memory_space<hbm>> -> memref<128x32xf32, #tpu.memory_space<hbm>>
        tpu.enqueue_dma source(%arg9 : memref<128x32xf32, #tpu.memory_space<vmem>>) target(%dma_start3A_66 : memref<128x32xf32, #tpu.memory_space<hbm>>) target_semaphore(%run_scoped3A : memref<!tpu.dma_semaphore, #tpu.memory_space<semaphore_mem>>)
        %dma_wait3A_67 = arith.constant 0 : i32
        %dma_wait3A_68 = tpu.memref_slice %arg4[%add3A_62, %dma_wait3A_67] : memref<425984x32xf32, #tpu.memory_space<hbm>> -> memref<128x32xf32, #tpu.memory_space<hbm>>
        %dma_wait3A_69 = arith.constant 0 : i32
        %dma_wait3A_70 = tpu.memref_slice %arg4[%add3A_62, %dma_wait3A_69] : memref<425984x32xf32, #tpu.memory_space<hbm>> -> memref<128x32xf32, #tpu.memory_space<hbm>>
        tpu.wait_dma2 semaphore(%run_scoped3A : memref<!tpu.dma_semaphore, #tpu.memory_space<semaphore_mem>>) src(%arg9 : memref<128x32xf32, #tpu.memory_space<vmem>>) dst(%dma_wait3A_70 : memref<128x32xf32, #tpu.memory_space<hbm>>)
        tpu.yield
      }) : () -> ()
    }
    %scan3A_13 = arith.constant 52 : i32
    return
  }
}

module attributes {stable_mosaic.version = 14 : i64} {
  func.func @_mlp_body(%arg0: i32, %arg1: memref<512x16xf32, #tpu.memory_space<vmem>>, %arg2: memref<512x832xf32, #tpu.memory_space<vmem>>, %arg3: memref<16x512xf32, #tpu.memory_space<vmem>>, %arg4: memref<832x512xf32, #tpu.memory_space<vmem>>, %arg5: memref<1x512xf32, #tpu.memory_space<vmem>>, %arg6: memref<512x256xf32, #tpu.memory_space<vmem>>, %arg7: memref<1x256xf32, #tpu.memory_space<vmem>>, %arg8: memref<256x128xf32, #tpu.memory_space<vmem>>, %arg9: memref<1x128xf32, #tpu.memory_space<vmem>>, %arg10: memref<1x128xf32, #tpu.memory_space<vmem>>, %arg11: memref<1x1xf32, #tpu.memory_space<vmem>>, %arg12: memref<512x1xf32, #tpu.memory_space<vmem>>) attributes {dimension_semantics = [#tpu.dimension_semantics<arbitrary>], iteration_bounds = array<i64: 32>, scalar_prefetch = 0 : i64, scratch_operands = 0 : i64, tpu.core_type = #tpu.core_type<tc>, window_params = [{transform_indices = @transform_0, window_bounds = array<i64: 512, 16>}, {transform_indices = @transform_1, window_bounds = array<i64: 512, 832>}, {pipeline_mode = #tpu.pipeline_mode<synchronous>, transform_indices = @transform_2, window_bounds = array<i64: 16, 512>}, {pipeline_mode = #tpu.pipeline_mode<synchronous>, transform_indices = @transform_3, window_bounds = array<i64: 832, 512>}, {pipeline_mode = #tpu.pipeline_mode<synchronous>, transform_indices = @transform_4, window_bounds = array<i64: 1, 512>}, {pipeline_mode = #tpu.pipeline_mode<synchronous>, transform_indices = @transform_5, window_bounds = array<i64: 512, 256>}, {pipeline_mode = #tpu.pipeline_mode<synchronous>, transform_indices = @transform_6, window_bounds = array<i64: 1, 256>}, {pipeline_mode = #tpu.pipeline_mode<synchronous>, transform_indices = @transform_7, window_bounds = array<i64: 256, 128>}, {pipeline_mode = #tpu.pipeline_mode<synchronous>, transform_indices = @transform_8, window_bounds = array<i64: 1, 128>}, {pipeline_mode = #tpu.pipeline_mode<synchronous>, transform_indices = @transform_9, window_bounds = array<i64: 1, 128>}, {pipeline_mode = #tpu.pipeline_mode<synchronous>, transform_indices = @transform_10, window_bounds = array<i64: 1, 1>}, {transform_indices = @transform_11, window_bounds = array<i64: 512, 1>}]} {
    %get3A = arith.constant 0 : index
    %get3A_0 = arith.constant 0 : index
    %get3A_1 = vector.load %arg2[%get3A, %get3A_0] : memref<512x832xf32, #tpu.memory_space<vmem>>, vector<512x832xf32>
    %get3A_2 = arith.constant 0 : index
    %get3A_3 = arith.constant 0 : index
    %get3A_4 = vector.load %arg4[%get3A_2, %get3A_3] : memref<832x512xf32, #tpu.memory_space<vmem>>, vector<832x512xf32>
    %dot_general3A = arith.constant dense<0.000000e+00> : vector<512x512xf32>
    %dot_general3A_5 = tpu.matmul %get3A_1, %get3A_4, %dot_general3A {dimension_numbers = #tpu.dot_dimension_numbers<[1], [0], [0], [1], [0, 0, 1, 1], [], []>, transpose_lhs_hint = false} : vector<512x832xf32>, vector<832x512xf32>, vector<512x512xf32> -> vector<512x512xf32>
    %get3A_6 = arith.constant 0 : index
    %get3A_7 = arith.constant 0 : index
    %get3A_8 = vector.load %arg1[%get3A_6, %get3A_7] : memref<512x16xf32, #tpu.memory_space<vmem>>, vector<512x16xf32>
    %get3A_9 = arith.constant 0 : index
    %get3A_10 = arith.constant 0 : index
    %get3A_11 = vector.load %arg3[%get3A_9, %get3A_10] : memref<16x512xf32, #tpu.memory_space<vmem>>, vector<16x512xf32>
    %dot_general3A_12 = arith.constant dense<0.000000e+00> : vector<512x512xf32>
    %dot_general3A_13 = tpu.matmul %get3A_8, %get3A_11, %dot_general3A_12 {dimension_numbers = #tpu.dot_dimension_numbers<[1], [0], [0], [1], [0, 0, 1, 1], [], []>, transpose_lhs_hint = false} : vector<512x16xf32>, vector<16x512xf32>, vector<512x512xf32> -> vector<512x512xf32>
    %add3A = arith.addf %dot_general3A_5, %dot_general3A_13 : vector<512x512xf32>
    %get3A_14 = arith.constant 0 : index
    %get3A_15 = arith.constant 0 : index
    %get3A_16 = vector.load %arg5[%get3A_14, %get3A_15] : memref<1x512xf32, #tpu.memory_space<vmem>>, vector<1x512xf32>
    %add3A_17 = vector.broadcast %get3A_16 : vector<1x512xf32> to vector<512x512xf32>
    %add3A_18 = arith.addf %add3A, %add3A_17 : vector<512x512xf32>
    %max3A = arith.constant 0.000000e+00 : f32
    %max3A_19 = vector.broadcast %max3A : f32 to vector<512x512xf32>
    %max3A_20 = arith.maximumf %add3A_18, %max3A_19 : vector<512x512xf32>
    %get3A_21 = arith.constant 0 : index
    %get3A_22 = arith.constant 0 : index
    %get3A_23 = vector.load %arg6[%get3A_21, %get3A_22] : memref<512x256xf32, #tpu.memory_space<vmem>>, vector<512x256xf32>
    %dot_general3A_24 = arith.constant dense<0.000000e+00> : vector<512x256xf32>
    %dot_general3A_25 = tpu.matmul %max3A_20, %get3A_23, %dot_general3A_24 {dimension_numbers = #tpu.dot_dimension_numbers<[1], [0], [0], [1], [0, 0, 1, 1], [], []>, transpose_lhs_hint = false} : vector<512x512xf32>, vector<512x256xf32>, vector<512x256xf32> -> vector<512x256xf32>
    %get3A_26 = arith.constant 0 : index
    %get3A_27 = arith.constant 0 : index
    %get3A_28 = vector.load %arg7[%get3A_26, %get3A_27] : memref<1x256xf32, #tpu.memory_space<vmem>>, vector<1x256xf32>
    %add3A_29 = vector.broadcast %get3A_28 : vector<1x256xf32> to vector<512x256xf32>
    %add3A_30 = arith.addf %dot_general3A_25, %add3A_29 : vector<512x256xf32>
    %max3A_31 = arith.constant 0.000000e+00 : f32
    %max3A_32 = vector.broadcast %max3A_31 : f32 to vector<512x256xf32>
    %max3A_33 = arith.maximumf %add3A_30, %max3A_32 : vector<512x256xf32>
    %get3A_34 = arith.constant 0 : index
    %get3A_35 = arith.constant 0 : index
    %get3A_36 = vector.load %arg8[%get3A_34, %get3A_35] : memref<256x128xf32, #tpu.memory_space<vmem>>, vector<256x128xf32>
    %dot_general3A_37 = arith.constant dense<0.000000e+00> : vector<512x128xf32>
    %dot_general3A_38 = tpu.matmul %max3A_33, %get3A_36, %dot_general3A_37 {dimension_numbers = #tpu.dot_dimension_numbers<[1], [0], [0], [1], [0, 0, 1, 1], [], []>, transpose_lhs_hint = false} : vector<512x256xf32>, vector<256x128xf32>, vector<512x128xf32> -> vector<512x128xf32>
    %get3A_39 = arith.constant 0 : index
    %get3A_40 = arith.constant 0 : index
    %get3A_41 = vector.load %arg9[%get3A_39, %get3A_40] : memref<1x128xf32, #tpu.memory_space<vmem>>, vector<1x128xf32>
    %add3A_42 = vector.broadcast %get3A_41 : vector<1x128xf32> to vector<512x128xf32>
    %add3A_43 = arith.addf %dot_general3A_38, %add3A_42 : vector<512x128xf32>
    %max3A_44 = arith.constant 0.000000e+00 : f32
    %max3A_45 = vector.broadcast %max3A_44 : f32 to vector<512x128xf32>
    %max3A_46 = arith.maximumf %add3A_43, %max3A_45 : vector<512x128xf32>
    %get3A_47 = arith.constant 0 : index
    %get3A_48 = arith.constant 0 : index
    %get3A_49 = vector.load %arg10[%get3A_47, %get3A_48] : memref<1x128xf32, #tpu.memory_space<vmem>>, vector<1x128xf32>
    %mul3A = vector.broadcast %get3A_49 : vector<1x128xf32> to vector<512x128xf32>
    %mul3A_50 = arith.mulf %max3A_46, %mul3A : vector<512x128xf32>
    %reduce_sum3A = arith.constant dense<0.000000e+00> : vector<512xf32>
    %reduce_sum3A_51 = vector.multi_reduction <add>, %mul3A_50, %reduce_sum3A [1] : vector<512x128xf32> to vector<512xf32>
    %broadcast_in_dim3A = vector.shape_cast %reduce_sum3A_51 : vector<512xf32> to vector<512x1xf32>
    %get3A_52 = arith.constant 0 : index
    %get3A_53 = arith.constant 0 : index
    %get3A_54 = vector.load %arg11[%get3A_52, %get3A_53] : memref<1x1xf32, #tpu.memory_space<vmem>>, vector<1x1xf32>
    %add3A_55 = vector.broadcast %get3A_54 : vector<1x1xf32> to vector<512x1xf32>
    %add3A_56 = arith.addf %broadcast_in_dim3A, %add3A_55 : vector<512x1xf32>
    %logistic3A = arith.negf %add3A_56 : vector<512x1xf32>
    %logistic3A_57 = math.exp %logistic3A : vector<512x1xf32>
    %logistic3A_58 = arith.constant 1.000000e+00 : f32
    %logistic3A_59 = vector.broadcast %logistic3A_58 : f32 to vector<512x1xf32>
    %logistic3A_60 = arith.addf %logistic3A_59, %logistic3A_57 : vector<512x1xf32>
    %logistic3A_61 = arith.divf %logistic3A_59, %logistic3A_60 : vector<512x1xf32>
    %swap3A = arith.constant 0 : index
    %swap3A_62 = arith.constant 0 : index
    %swap3A_63 = vector.load %arg12[%swap3A, %swap3A_62] : memref<512x1xf32, #tpu.memory_space<vmem>>, vector<512x1xf32>
    tpu.vector_store %arg12[%swap3A, %swap3A_62], %logistic3A_61 {strides = array<i32>} : memref<512x1xf32, #tpu.memory_space<vmem>>, vector<512x1xf32>,
    return
  }
  func.func @transform_0(%arg0: i32) -> (i32, i32) {
    %c0_i32 = arith.constant 0 : i32
    %c0_i32_0 = arith.constant 0 : i32
    return %arg0, %c0_i32 : i32, i32
  }
  func.func @transform_1(%arg0: i32) -> (i32, i32) {
    %c0_i32 = arith.constant 0 : i32
    %c0_i32_0 = arith.constant 0 : i32
    return %arg0, %c0_i32 : i32, i32
  }
  func.func @transform_2(%arg0: i32) -> (i32, i32) {
    %c0_i32 = arith.constant 0 : i32
    %c0_i32_0 = arith.constant 0 : i32
    %c0_i32_1 = arith.constant 0 : i32
    return %c0_i32, %c0_i32_0 : i32, i32
  }
  func.func @transform_3(%arg0: i32) -> (i32, i32) {
    %c0_i32 = arith.constant 0 : i32
    %c0_i32_0 = arith.constant 0 : i32
    %c0_i32_1 = arith.constant 0 : i32
    return %c0_i32, %c0_i32_0 : i32, i32
  }
  func.func @transform_4(%arg0: i32) -> (i32, i32) {
    %c0_i32 = arith.constant 0 : i32
    %c0_i32_0 = arith.constant 0 : i32
    %c0_i32_1 = arith.constant 0 : i32
    return %c0_i32, %c0_i32_0 : i32, i32
  }
  func.func @transform_5(%arg0: i32) -> (i32, i32) {
    %c0_i32 = arith.constant 0 : i32
    %c0_i32_0 = arith.constant 0 : i32
    %c0_i32_1 = arith.constant 0 : i32
    return %c0_i32, %c0_i32_0 : i32, i32
  }
  func.func @transform_6(%arg0: i32) -> (i32, i32) {
    %c0_i32 = arith.constant 0 : i32
    %c0_i32_0 = arith.constant 0 : i32
    %c0_i32_1 = arith.constant 0 : i32
    return %c0_i32, %c0_i32_0 : i32, i32
  }
  func.func @transform_7(%arg0: i32) -> (i32, i32) {
    %c0_i32 = arith.constant 0 : i32
    %c0_i32_0 = arith.constant 0 : i32
    %c0_i32_1 = arith.constant 0 : i32
    return %c0_i32, %c0_i32_0 : i32, i32
  }
  func.func @transform_8(%arg0: i32) -> (i32, i32) {
    %c0_i32 = arith.constant 0 : i32
    %c0_i32_0 = arith.constant 0 : i32
    %c0_i32_1 = arith.constant 0 : i32
    return %c0_i32, %c0_i32_0 : i32, i32
  }
  func.func @transform_9(%arg0: i32) -> (i32, i32) {
    %c0_i32 = arith.constant 0 : i32
    %c0_i32_0 = arith.constant 0 : i32
    %c0_i32_1 = arith.constant 0 : i32
    return %c0_i32, %c0_i32_0 : i32, i32
  }
  func.func @transform_10(%arg0: i32) -> (i32, i32) {
    %c0_i32 = arith.constant 0 : i32
    %c0_i32_0 = arith.constant 0 : i32
    %c0_i32_1 = arith.constant 0 : i32
    return %c0_i32, %c0_i32_0 : i32, i32
  }
  func.func @transform_11(%arg0: i32) -> (i32, i32) {
    %c0_i32 = arith.constant 0 : i32
    %c0_i32_0 = arith.constant 0 : i32
    return %arg0, %c0_i32 : i32, i32
  }
}

</mosaic_0001>

<sc_bundles>
// kernel: kernel.4.cloned.1.call-start
scs
__scs_entry_jumppad:
0x0: {  	(pc) =	sbr.rel $0x88, $3  }
0x1: {  	(tag) =	ssettag $0x0;
	lr =	simm.s32 $0x1  }
0x2: {  	[smem:$0x3F96] =	sst lr;
	_ =	strace $0xD0000000  }
0x3: {  	_ = 	snop  }
0x4: {  	_ = 	snop  }
0x5: {  	_ = 	snop  }
0x6: {  	_ = 	snop  }
0x7: {  	_ = 	snop  }
__scs_overlays_trampoline_lowered:
0x8: {  	[smem:$0x3FA5] =	sst s0  }
0x9: {  	[smem:$0x3FA6] =	sst s1  }
0xa: {  	[smem:$0x3FA7] =	sst s2  }
0xb: {  	[smem:$0x3FA8] =	sst s3  }
0xc: {  	[smem:$0x3FA9] =	sst s4  }
0xd: {  	[smem:$0x3FAA] =	sst s5  }
0xe: {  	[smem:$0x3FAB] =	sst s6  }
0xf: {  	[smem:$0x3FAC] =	sst s7  }
0x10: {  	[smem:$0x3FAD] =	sst s8  }
0x11: {  	[smem:$0x3FAE] =	sst s9;
	s0 =	simm.s32 @!p0 $0x0  }
0x12: {  	s1 =	sld [smem:$0x3F94];
	s0 =	simm.s32 @p0 $0x1  }
0x13: {  	[smem:$0x3FAF] =	sst s0;
	s0 =	simm.s32 @!p1 $0x0  }
0x14: {  	s2 =	sld [smem:$0x3F93];
	s0 =	simm.s32 @p1 $0x1  }
0x15: {  	[smem:$0x3FB0] =	sst s0;
	s0 =	simm.s32 @!p2 $0x0  }
0x16: {  	s3 =	sld [smem:$0x3FDB];
	s0 =	simm.s32 @p2 $0x1  }
0x17: {  	s4 =	simm.s32 $0x1BF5;
	[smem:$0x3FB2] =	sst s0  }
0x18: {  	s0 =	sld [smem:$0x3F95];
	_ =	swait.ge [sflag:s4], $0x0  }
0x19: {  	s7 =	sld [smem:$0x3F96]  }
0x1a: {  	s8 =	sadd.s32 $0xFFFFE003, lr  }
0x1b: {  	s9 =	sadd.s32 $0xFFFFFEF7, lr;
	s5 =	simm.s32 $0xFFFFFFFF;
	p2 =	slt.u32 s8, $0xFFFFF086  }
0x1c: {  	p1 =	slt.u32 s9, $0xF7A;
	s5 =	simm.s32 @!p2 $0x0  }
0x1d: {  	s5 =	simm.s32 @p1 $0x1;
	p0 =	seq.s32 s7, s2  }
0x1e: {  	s7 =	smul.u32 @!p0 $0xF7A, s2;
	p2 =	seq.s32 @!p0 s5, $0x0  }
0x1f: {  	s9 =	smul.u32 $0xF7A, s1;
	s8 =	simm.s32 @!p0 $0x1BF5;
	p2 =	por !p2, p0  }
0x20: {  	[sflag:s8] =	ssyncset.s32 @!p0 $0xFFFFF086;
	s6 =	sadd.s32 @!p0 s3, s7;
	s7 =	simm.s32 @!p0 $0x108  }
0x21: {  	s3 =	sadd.s32 s3, s9;
	s6 =	sadd.s32 @!p0 $0x88, s6;
	s7 =	simm.s32 @p2 $0x1082  }
0x22: {  	[simem:s7], [sflag:s8] =	dma.local @!p0 [hbm:s6], $0xF7A  }
0x23: {  	s9 =	sor.u32 $0xD0000000, s2;
	s6 =	simm.s32 $0x108;
	_ =	swait.ge @!p0 [sflag:s8], $0x0  }
0x24: {  	s3 =	sadd.s32 $0x88, s3;
	s6 =	simm.s32 @!p1 $0x1082;
	[sflag:s4] =	ssyncset.s32 $0xFFFFF086  }
0x25: {  	[simem:s6], [sflag:s4] =	dma.local [hbm:s3], $0xF7A  }
0x26: {  	[smem:$0x3F96] =	sst s1;
	(tag) =	ssettag s2;
	_ =	strace s9  }
0x27: {  	s1 =	sld [smem:$0x3FA6]  }
0x28: {  	s2 =	sld [smem:$0x3FA7]  }
0x29: {  	s4 =	sld [smem:$0x3FA9]  }
0x2a: {  	p0 =	seq.s32 s5, $0x0;
	s5 =	sld [smem:$0x3FAA]  }
0x2b: {  	s6 =	sld [smem:$0x3FAB]  }
0x2c: {  	s7 =	sld [smem:$0x3FAC]  }
0x2d: {  	s3 =	simm.s32 $0x108;
	s8 =	sld [smem:$0x3FAD]  }
0x2e: {  	s3 =	simm.s32 @!p0 $0x1082;
	s9 =	sld [smem:$0x3FAE]  }
0x2f: {  	lr =	sadd.s32 s0, s3;
	s0 =	sld [smem:$0x3FA5]  }
0x30: {  	s3 =	sld [smem:$0x3FA8]  }
0x31: {  	[smem:$0x3FB1] =	sst s10  }
0x32: {  	s10 =	sld [smem:$0x3FAF];
	_ =	sdelay $0x3  }
0x33: {  	p0 =	seq.s32 s10, $0x1;
	s10 =	sld [smem:$0x3FB1];
	_ =	sdelay $0x3  }
0x34: {  	[smem:$0x3FB1] =	sst s10  }
0x35: {  	s10 =	sld [smem:$0x3FB0];
	_ =	sdelay $0x3  }
0x36: {  	p1 =	seq.s32 s10, $0x1;
	s10 =	sld [smem:$0x3FB1];
	_ =	sdelay $0x3  }
0x37: {  	[smem:$0x3FB1] =	sst s10  }
0x38: {  	s10 =	sld [smem:$0x3FB2]  }
0x39: {  	_ = 	snop;
	(pc) =	sbr.ind lr, $3  }
0x3a: {  	_ = 	snop  }
0x3b: {  	_ = 	snop  }
0x3c: {  	p2 =	seq.s32 s10, $0x1;
	s10 =	sld [smem:$0x3FB1]  }
0x3d: {  	_ =	shalt  }
0x3e: {  	_ =	shalt  }
0x3f: {  	_ =	shalt  }
0x40: {  	_ =	shalt  }
0x41: {  	_ =	shalt  }
0x42: {  	_ =	shalt  }
0x43: {  	_ =	shalt  }
0x44: {  	_ =	shalt  }
0x45: {  	_ =	shalt  }
0x46: {  	_ =	shalt  }
0x47: {  	_ =	shalt  }
0x48: {  	_ =	shalt  }
0x49: {  	_ =	shalt  }
0x4a: {  	_ =	shalt  }
0x4b: {  	_ =	shalt  }
0x4c: {  	_ =	shalt  }
0x4d: {  	_ =	shalt  }
0x4e: {  	_ =	shalt  }
0x4f: {  	_ =	shalt  }
0x50: {  	_ =	shalt  }
0x51: {  	_ =	shalt  }
0x52: {  	_ =	shalt  }
0x53: {  	_ =	shalt  }
0x54: {  	_ =	shalt  }
0x55: {  	_ =	shalt  }
0x56: {  	_ =	shalt  }
0x57: {  	_ =	shalt  }
0x58: {  	_ =	shalt  }
0x59: {  	_ =	shalt  }
0x5a: {  	_ =	shalt  }
0x5b: {  	_ =	shalt  }
0x5c: {  	_ =	shalt  }
0x5d: {  	_ =	shalt  }
0x5e: {  	_ =	shalt  }
0x5f: {  	_ =	shalt  }
0x60: {  	_ =	shalt  }
0x61: {  	_ =	shalt  }
0x62: {  	_ =	shalt  }
0x63: {  	_ =	shalt  }
0x64: {  	_ =	shalt  }
0x65: {  	_ =	shalt  }
0x66: {  	_ =	shalt  }
0x67: {  	_ =	shalt  }
0x68: {  	_ =	shalt  }
0x69: {  	_ =	shalt  }
0x6a: {  	_ =	shalt  }
0x6b: {  	_ =	shalt  }
0x6c: {  	_ =	shalt  }
0x6d: {  	_ =	shalt  }
0x6e: {  	_ =	shalt  }
0x6f: {  	_ =	shalt  }
0x70: {  	_ =	shalt  }
0x71: {  	_ =	shalt  }
0x72: {  	_ =	shalt  }
0x73: {  	_ =	shalt  }
0x74: {  	_ =	shalt  }
0x75: {  	_ =	shalt  }
0x76: {  	_ =	shalt  }
0x77: {  	_ =	shalt  }
0x78: {  	_ =	shalt  }
0x79: {  	_ =	shalt  }
0x7a: {  	_ =	shalt  }
0x7b: {  	_ =	shalt  }
0x7c: {  	_ =	shalt  }
0x7d: {  	_ =	shalt  }
0x7e: {  	_ =	shalt  }
0x7f: {  	_ =	shalt  }
0x80: {  	_ =	shalt  }
0x81: {  	_ =	shalt  }
0x82: {  	_ =	shalt  }
0x83: {  	_ =	shalt  }
0x84: {  	_ =	shalt  }
0x85: {  	_ =	shalt  }
0x86: {  	_ =	shalt  }
0x87: {  	_ =	shalt  }
.Lfunc_end0:
.L_simem_size_0:
called_computation.1_lowered:
.L_overlay_start_0:
0x88: {  	s2 =	sld [smem:$0x3FD9]  }
0x89: {  	s3 =	sld [smem:$0x3FFE];
	_ =	sdelay $0x1  }
0x8a: {  	s1 =	srdreg.scid  }
0x8b: {  	s0 =	sand.u32 $0x1, s1  }
0x8c: {  	s16 =	sshll.u32 s0, $0xA;
	s2 =	sadd.s32 s3, s2  }
0x8d: {  	s2 =	sadd.s32 s2, s16  }
0x8e: {  	[smem:$0x3FBD] =	sst s2  }
0x8f: {  	_ = 	snop  }
0x90: {  	(tm) =	ssettm $0x1  }
0x91: {  	s17 =	sld [smem:$0x3FFB];
	_ =	sdelay $0x3  }
0x92: {  	_ =	strace s17  }
0x93: {  	s2 =	sld [smem:$0x3FFC];
	_ =	sdelay $0x3  }
0x94: {  	_ =	strace s2  }
0x95: {  	s2 =	sld [smem:$0x3FFD];
	_ =	sdelay $0x3  }
0x96: {  	_ =	strace s2  }
0x97: {  	_ =	strace $0x8FFFFFFF  }
0x98: {  	s18 =	sld [smem:$0x3FDB];
	_ =	sdelay $0x1  }
0x99: {  	s19 =	simm.s32 $_scs_section_size  }
0x9a: {  	s4 =	simm.s32 $_size__tile_overlayer_lowered;
	s5 =	simm.s32 $_tile_overlayer_lowered  }
0x9b: {  	s22 =	simm.s32 $0x1BFF;
	s21 =	sshll.u32 s5, $0x1;
	s2 =	sadd.s32 s19, s18  }
0x9c: {  	s6 =	simm.s32 $0x0;
	s20 =	sshll.u32 s4, $0x1;
	s4 =	sadd.s32 s21, s2  }
0x9d: {  	[timem:s6], [sflag:s22] =	dma.local [hbm:s4], s20  }
0x9e: {  	_ =	swait.ge [sflag:s22], s20  }
0x9f: {  	s3 =	ssub.s32 $0x0, s20;
	[sflag:s22] =	ssyncset.done $0x0  }
0xa0: {  	[sflag:s22] =	ssyncadd.s32 s3;
	_ =	sdelay $0x1  }
0xa1: {  	s23 =	simm.s32 $0x1B8B  }
0xa2: {  	_ =	swait.ge [sflag:s23], $0x1  }
0xa3: {  	[sflag:s23] =	ssyncset.done $0x0  }
0xa4: {  	s25 =	simm.s32 $0x1B8E;
	s24 =	sld [smem:$0x3FFE];
	[sflag:s23] =	ssyncadd.s32 $0xFFFFFFFF  }
0xa5: {  	s26 =	simm.s32 $execute0_lowered;
	[smem:$0x3FD2] =	sst s25  }
0xa6: {  	s4 =	sshll.u32 s26, $0x1;
	_ =	strace $0x80000049;
	[dreg:$0x1] =	wrdreg $0xFFFFFFFF  }
0xa7: {  	s28 =	simm.s32 $_size_execute0_lowered;
	s2 =	sadd.s32 s2, s4;
	[dreg:$0x0] =	wrdreg $0x0  }
0xa8: {  	s4 =	sshll.u32 s28, $0x1;
	[dreg:$0x2] =	wrdreg s2  }
0xa9: {  	[dreg:$0x3] =	wrdreg s4  }
0xaa: {  	[dreg:$0x4] =	wrdreg $0xC0  }
0xab: {  	_ =	task [dreg:s6], $0x5FFFF  }
0xac: {  	[dreg:$0x1] =	wrdreg $0xFFFFFFFF  }
0xad: {  	[dreg:$0x0] =	wrdreg $0x60  }
0xae: {  	[dreg:$0x2] =	wrdreg s24  }
0xaf: {  	[dreg:$0x3] =	wrdreg $0x9  }
0xb0: {  	_ =	task.clear_ibuf [dreg:s6], $0x4FFFF;
	_ =	strace $0x90000049  }
0xb1: {  	s29 =	simm.s32 $0x9;
	_ =	strace $0x8000004B  }
0xb2: {  	_ =	swait.ge [sflag:s29], $0x1  }
0xb3: {  	[sflag:s29] =	ssyncadd.s32 $0xFFFFFFFF  }
0xb4: {  	_ =	strace $0x9000004B  }
0xb5: {  	_ =	sfence  }
0xb6: {  	s30 =	sld [smem:$0x0];
	_ =	sdelay $0x2  }
0xb7: {  	s31 =	sshll.u32 s1, $0xD;
	s1 =	sshrl.u32 s1, $0x2  }
0xb8: {  	s3 =	sand.u32 $0x4000, s31;
	s1 =	sadd.s32 s1, s30  }
0xb9: {  	s0 =	sor.u32 s3, s0;
	s1 =	sshll.u32 s1, $0x11  }
0xba: {  	s0 =	sor.u32 s1, s0  }
0xbb: {  	s0 =	sadd.s32 $0x8F2B, s0  }
0xbc: {  	[sflag:s0] =	ssyncadd.remote.s32 $0x1  }
0xbd: {  	_ =	sfence.sel $0xFFFF  }
0xbe: {  	[dreg:$0x0] =	wrdreg $0xFFFFFFFF;
	(pc) =	sbr.abs _section_cstart, $3  }
0xbf: {  	[dreg:$0x1] =	wrdreg $0xFFFFFFFF  }
0xc0: {  	_ =	task.clear_ibuf [dreg:s6], $0x2FFFF;
	_ =	strace $0x9FFFFFFF  }
0xc1: {  	(tm) =	ssettm $0x7FFFFFFF  }
tec
execute0_lowered:
.L_overlay_start_1:
0x0: {  	(tag) =	ssettag $0x1  }
0x1: {  	s1 =	srdreg.scid;
	s0 =	stileid.u32  }
0x2: {  	s4 =	rddreg [dreg:$0x0];
	s2 =	simm.s32 $0x0;
	s9 =	simm.s32 $0x80  }
0x3: {  	s10 =	simm.s32 $0x3400;
	s11 =	simm.s32 $0x7400;
	s12 =	simm.s32 $0x1  }
0x4: {  	s13 =	simm.s32 $0xB400;
	s14 =	simm.s32 $0x2;
	s15 =	simm.s32 $0xF400  }
0x5: {  	s3 =	sand.u32 $0x1, s1;
	s5 =	sshll.u32 s0, $0x1;
	s1 =	rddreg [dreg:$0x1]  }
0x6: {  	s16 =	simm.s32 $0x0;
	[smem:$0x7FF] =	sst s2;
	s6 =	sor.u32 s3, s5  }
0x7: {  	s7 =	ssub.s32 $0x2, s3;
	_ =	strace $0x8000004A;
	s5 =	smul.u32 $0x680, s6  }
0x8: {  	s3 =	sadd.s32 $0x27BBE00, s4;
	s8 =	sshrl.u32 s7, $0x1;
	s6 =	smul.u32 $0x1A0000, s6  }
0x9: {  	v0 =	vlaneseq.u32;
	s7 =	ssub.s32 s7, s8;
	s8 =	simm.s32 $0x3;
	s5 =	sadd.s32 s5, s4  }
0xa: {  	v0 =	vmul.u32 $0x80, v0;
	s4 =	sadd.s32 $0x1C00, s4;
	s7 =	smax.u32 s7, $0x1;
	s5 =	sadd.s32 $0x27AEE00, s5  }
.LBB2_1:
0xb: {  	[tilespmem:s2], [sflag:$0x3] =	stream.linear.gather [hbm4b:s5+s2], $0x3400, $0x38;
	[tilespmem:$0x13400] =	vst v63  }
0xc: {  	_ =	swait.ge [sflag:s8], $0x3400  }
0xd: {  	[sflag:s8] =	ssyncset.done $0x0  }
0xe: {  	s17 =	simm.s32 $0x0;
	[sflag:s8] =	ssyncadd.s32 $0xFFFFCC00  }
0xf: {  	[tilespmem:s10], [sflag:$0x1] =	stream.indirect.gather [hbm4b:s3+s9], $0x80, s2, s9, $0xb8;
	[tilespmem:$0x13400] =	vst v63  }
.LBB2_2:
0x10: {  	s19 =	simm.s32 $0x0  }
0x11: {  	s18 =	sshllo.u32 s17, $0x1;
	v1 =	vmov s19  }
0x12: {  	s30 =	sshll.u32 s18, $0x7;
	v1 =	vshll.u32 v1, $0x7  }
0x13: {  	s19 =	sand.u32 $0x3FFFFF80, s30;
	v1 =	vor.u32 v0, v1  }
0x14: {  	[tilespmem:s11], [sflag:$0x2] =	stream.indirect.gather [hbm4b:s3+s9], $0x80, s19, s9, $0xb8;
	[tilespmem:$0x13400] =	vst v63  }
0x15: {  	_ =	swait.ge [sflag:s12], $0x4000  }
0x16: {  	[sflag:s12] =	ssyncset.done $0x0  }
0x17: {  	[sflag:s12] =	ssyncadd.s32 $0xFFFFC000  }
0x18: {  	v2 =	vld.idx.msk [tilespmem:v1+s10+$0x0], $0xffff  }
0x19: {  	v3 =	vor.u32 $0x1, v1;
	_ =	sdelay $0x3  }
0x1a: {  	[tilespmem:v1+s13+$0x0] =	vst.idx.msk $0xffff, v2  }
0x1b: {  	v2 =	vld.idx.msk [tilespmem:v3+s10+$0x0], $0xffff  }
0x1c: {  	v4 =	vor.u32 $0x2, v1;
	_ =	sdelay $0x3  }
0x1d: {  	[tilespmem:v3+s13+$0x0] =	vst.idx.msk $0xffff, v2  }
0x1e: {  	v2 =	vld.idx.msk [tilespmem:v4+s10+$0x0], $0xffff  }
0x1f: {  	v3 =	vor.u32 $0x3, v1;
	_ =	sdelay $0x3  }
0x20: {  	[tilespmem:v4+s13+$0x0] =	vst.idx.msk $0xffff, v2  }
0x21: {  	v2 =	vld.idx.msk [tilespmem:v3+s10+$0x0], $0xffff  }
0x22: {  	v4 =	vor.u32 $0x4, v1;
	_ =	sdelay $0x3  }
0x23: {  	[tilespmem:v3+s13+$0x0] =	vst.idx.msk $0xffff, v2  }
0x24: {  	v2 =	vld.idx.msk [tilespmem:v4+s10+$0x0], $0xffff  }
0x25: {  	v3 =	vor.u32 $0x5, v1;
	_ =	sdelay $0x3  }
0x26: {  	[tilespmem:v4+s13+$0x0] =	vst.idx.msk $0xffff, v2  }
0x27: {  	v2 =	vld.idx.msk [tilespmem:v3+s10+$0x0], $0xffff  }
0x28: {  	v4 =	vor.u32 $0x6, v1;
	_ =	sdelay $0x3  }
0x29: {  	[tilespmem:v3+s13+$0x0] =	vst.idx.msk $0xffff, v2  }
0x2a: {  	v2 =	vld.idx.msk [tilespmem:v4+s10+$0x0], $0xffff  }
0x2b: {  	v3 =	vor.u32 $0x7, v1;
	_ =	sdelay $0x3  }
0x2c: {  	[tilespmem:v4+s13+$0x0] =	vst.idx.msk $0xffff, v2  }
0x2d: {  	v2 =	vld.idx.msk [tilespmem:v3+s10+$0x0], $0xffff  }
0x2e: {  	v4 =	vor.u32 $0x8, v1;
	_ =	sdelay $0x3  }
0x2f: {  	[tilespmem:v3+s13+$0x0] =	vst.idx.msk $0xffff, v2  }
0x30: {  	v2 =	vld.idx.msk [tilespmem:v4+s10+$0x0], $0xffff  }
0x31: {  	v3 =	vor.u32 $0x9, v1;
	_ =	sdelay $0x3  }
0x32: {  	[tilespmem:v4+s13+$0x0] =	vst.idx.msk $0xffff, v2  }
0x33: {  	v2 =	vld.idx.msk [tilespmem:v3+s10+$0x0], $0xffff  }
0x34: {  	v4 =	vor.u32 $0xA, v1;
	_ =	sdelay $0x3  }
0x35: {  	[tilespmem:v3+s13+$0x0] =	vst.idx.msk $0xffff, v2  }
0x36: {  	v2 =	vld.idx.msk [tilespmem:v4+s10+$0x0], $0xffff  }
0x37: {  	v3 =	vor.u32 $0xB, v1;
	_ =	sdelay $0x3  }
0x38: {  	[tilespmem:v4+s13+$0x0] =	vst.idx.msk $0xffff, v2  }
0x39: {  	v2 =	vld.idx.msk [tilespmem:v3+s10+$0x0], $0xffff  }
0x3a: {  	v4 =	vor.u32 $0xC, v1;
	_ =	sdelay $0x3  }
0x3b: {  	[tilespmem:v3+s13+$0x0] =	vst.idx.msk $0xffff, v2  }
0x3c: {  	v2 =	vld.idx.msk [tilespmem:v4+s10+$0x0], $0xffff  }
0x3d: {  	v3 =	vor.u32 $0xD, v1;
	_ =	sdelay $0x3  }
0x3e: {  	[tilespmem:v4+s13+$0x0] =	vst.idx.msk $0xffff, v2  }
0x3f: {  	v2 =	vld.idx.msk [tilespmem:v3+s10+$0x0], $0xffff  }
0x40: {  	v4 =	vor.u32 $0xE, v1;
	_ =	sdelay $0x3  }
0x41: {  	[tilespmem:v3+s13+$0x0] =	vst.idx.msk $0xffff, v2  }
0x42: {  	v2 =	vld.idx.msk [tilespmem:v4+s10+$0x0], $0xffff  }
0x43: {  	v3 =	vor.u32 $0xF, v1;
	_ =	sdelay $0x3  }
0x44: {  	[tilespmem:v4+s13+$0x0] =	vst.idx.msk $0xffff, v2  }
0x45: {  	v2 =	vld.idx.msk [tilespmem:v3+s10+$0x0], $0xffff  }
0x46: {  	v4 =	vor.u32 $0x10, v1;
	_ =	sdelay $0x3  }
0x47: {  	[tilespmem:v3+s13+$0x0] =	vst.idx.msk $0xffff, v2  }
0x48: {  	v2 =	vld.idx.msk [tilespmem:v4+s10+$0x0], $0xffff  }
0x49: {  	v3 =	vor.u32 $0x11, v1;
	_ =	sdelay $0x3  }
0x4a: {  	[tilespmem:v4+s13+$0x0] =	vst.idx.msk $0xffff, v2  }
0x4b: {  	v2 =	vld.idx.msk [tilespmem:v3+s10+$0x0], $0xffff  }
0x4c: {  	v4 =	vor.u32 $0x12, v1;
	_ =	sdelay $0x3  }
0x4d: {  	[tilespmem:v3+s13+$0x0] =	vst.idx.msk $0xffff, v2  }
0x4e: {  	v2 =	vld.idx.msk [tilespmem:v4+s10+$0x0], $0xffff  }
0x4f: {  	v3 =	vor.u32 $0x13, v1;
	_ =	sdelay $0x3  }
0x50: {  	[tilespmem:v4+s13+$0x0] =	vst.idx.msk $0xffff, v2  }
0x51: {  	v2 =	vld.idx.msk [tilespmem:v3+s10+$0x0], $0xffff  }
0x52: {  	v4 =	vor.u32 $0x14, v1;
	_ =	sdelay $0x3  }
0x53: {  	[tilespmem:v3+s13+$0x0] =	vst.idx.msk $0xffff, v2  }
0x54: {  	v2 =	vld.idx.msk [tilespmem:v4+s10+$0x0], $0xffff  }
0x55: {  	v3 =	vor.u32 $0x15, v1;
	_ =	sdelay $0x3  }
0x56: {  	[tilespmem:v4+s13+$0x0] =	vst.idx.msk $0xffff, v2  }
0x57: {  	v2 =	vld.idx.msk [tilespmem:v3+s10+$0x0], $0xffff  }
0x58: {  	v4 =	vor.u32 $0x16, v1;
	_ =	sdelay $0x3  }
0x59: {  	[tilespmem:v3+s13+$0x0] =	vst.idx.msk $0xffff, v2  }
0x5a: {  	v2 =	vld.idx.msk [tilespmem:v4+s10+$0x0], $0xffff  }
0x5b: {  	v3 =	vor.u32 $0x17, v1;
	_ =	sdelay $0x3  }
0x5c: {  	[tilespmem:v4+s13+$0x0] =	vst.idx.msk $0xffff, v2  }
0x5d: {  	v2 =	vld.idx.msk [tilespmem:v3+s10+$0x0], $0xffff  }
0x5e: {  	v4 =	vor.u32 $0x18, v1;
	_ =	sdelay $0x3  }
0x5f: {  	[tilespmem:v3+s13+$0x0] =	vst.idx.msk $0xffff, v2  }
0x60: {  	v2 =	vld.idx.msk [tilespmem:v4+s10+$0x0], $0xffff  }
0x61: {  	v3 =	vor.u32 $0x19, v1;
	_ =	sdelay $0x3  }
0x62: {  	[tilespmem:v4+s13+$0x0] =	vst.idx.msk $0xffff, v2  }
0x63: {  	v2 =	vld.idx.msk [tilespmem:v3+s10+$0x0], $0xffff  }
0x64: {  	v4 =	vor.u32 $0x1A, v1;
	_ =	sdelay $0x3  }
0x65: {  	[tilespmem:v3+s13+$0x0] =	vst.idx.msk $0xffff, v2  }
0x66: {  	v2 =	vld.idx.msk [tilespmem:v4+s10+$0x0], $0xffff  }
0x67: {  	v3 =	vor.u32 $0x1B, v1;
	_ =	sdelay $0x3  }
0x68: {  	[tilespmem:v4+s13+$0x0] =	vst.idx.msk $0xffff, v2  }
0x69: {  	v2 =	vld.idx.msk [tilespmem:v3+s10+$0x0], $0xffff  }
0x6a: {  	v4 =	vor.u32 $0x1C, v1;
	_ =	sdelay $0x3  }
0x6b: {  	[tilespmem:v3+s13+$0x0] =	vst.idx.msk $0xffff, v2  }
0x6c: {  	v2 =	vld.idx.msk [tilespmem:v4+s10+$0x0], $0xffff  }
0x6d: {  	v3 =	vor.u32 $0x1D, v1;
	_ =	sdelay $0x3  }
0x6e: {  	[tilespmem:v4+s13+$0x0] =	vst.idx.msk $0xffff, v2  }
0x6f: {  	v2 =	vld.idx.msk [tilespmem:v3+s10+$0x0], $0xffff  }
0x70: {  	v4 =	vor.u32 $0x1E, v1;
	_ =	sdelay $0x3  }
0x71: {  	[tilespmem:v3+s13+$0x0] =	vst.idx.msk $0xffff, v2  }
0x72: {  	v3 =	vld.idx.msk [tilespmem:v4+s10+$0x0], $0xffff  }
0x73: {  	v2 =	vor.u32 $0x1F, v1;
	_ =	sdelay $0x3  }
0x74: {  	s31 =	simm.s32 $0x10;
	[tilespmem:v4+s13+$0x0] =	vst.idx.msk $0xffff, v3  }
0x75: {  	s19 =	simm.s32 $0x20;
	v1 =	vmov s31;
	v3 =	vld.idx.msk [tilespmem:v2+s10+$0x0], $0xffff  }
.LBB2_3:
0x76: {  	p0 =	sne.s32 s19, $0x70;
	v1 =	vshll.u32 v1, $0x7  }
0x77: {  	v1 =	vor.u32 v0, v1;
	_ =	sdelay $0x3  }
0x78: {  	[tilespmem:v2+s13+$0x0] =	vst.idx.msk $0xffff, v3  }
0x79: {  	v2 =	vld.idx.msk [tilespmem:v1+s10+$0x0], $0xffff;
	_ =	sdelay $0x1  }
0x7a: {  	v3 =	vor.u32 $0x1, v1;
	_ =	sdelay $0x3  }
0x7b: {  	[tilespmem:v1+s13+$0x0] =	vst.idx.msk $0xffff, v2  }
0x7c: {  	v2 =	vld.idx.msk [tilespmem:v3+s10+$0x0], $0xffff;
	_ =	sdelay $0x1  }
0x7d: {  	v4 =	vor.u32 $0x2, v1;
	_ =	sdelay $0x3  }
0x7e: {  	[tilespmem:v3+s13+$0x0] =	vst.idx.msk $0xffff, v2  }
0x7f: {  	v2 =	vld.idx.msk [tilespmem:v4+s10+$0x0], $0xffff;
	_ =	sdelay $0x1  }
0x80: {  	v3 =	vor.u32 $0x3, v1;
	_ =	sdelay $0x3  }
0x81: {  	[tilespmem:v4+s13+$0x0] =	vst.idx.msk $0xffff, v2  }
0x82: {  	v2 =	vld.idx.msk [tilespmem:v3+s10+$0x0], $0xffff;
	_ =	sdelay $0x1  }
0x83: {  	v4 =	vor.u32 $0x4, v1;
	_ =	sdelay $0x3  }
0x84: {  	[tilespmem:v3+s13+$0x0] =	vst.idx.msk $0xffff, v2  }
0x85: {  	v2 =	vld.idx.msk [tilespmem:v4+s10+$0x0], $0xffff;
	_ =	sdelay $0x1  }
0x86: {  	v3 =	vor.u32 $0x5, v1;
	_ =	sdelay $0x3  }
0x87: {  	[tilespmem:v4+s13+$0x0] =	vst.idx.msk $0xffff, v2  }
0x88: {  	v2 =	vld.idx.msk [tilespmem:v3+s10+$0x0], $0xffff;
	_ =	sdelay $0x1  }
0x89: {  	v4 =	vor.u32 $0x6, v1;
	_ =	sdelay $0x3  }
0x8a: {  	[tilespmem:v3+s13+$0x0] =	vst.idx.msk $0xffff, v2  }
0x8b: {  	v2 =	vld.idx.msk [tilespmem:v4+s10+$0x0], $0xffff;
	_ =	sdelay $0x1  }
0x8c: {  	v3 =	vor.u32 $0x7, v1;
	_ =	sdelay $0x3  }
0x8d: {  	[tilespmem:v4+s13+$0x0] =	vst.idx.msk $0xffff, v2  }
0x8e: {  	v2 =	vld.idx.msk [tilespmem:v3+s10+$0x0], $0xffff;
	_ =	sdelay $0x1  }
0x8f: {  	v4 =	vor.u32 $0x8, v1;
	_ =	sdelay $0x3  }
0x90: {  	[tilespmem:v3+s13+$0x0] =	vst.idx.msk $0xffff, v2  }
0x91: {  	v2 =	vld.idx.msk [tilespmem:v4+s10+$0x0], $0xffff;
	_ =	sdelay $0x1  }
0x92: {  	v3 =	vor.u32 $0x9, v1;
	_ =	sdelay $0x3  }
0x93: {  	[tilespmem:v4+s13+$0x0] =	vst.idx.msk $0xffff, v2  }
0x94: {  	v2 =	vld.idx.msk [tilespmem:v3+s10+$0x0], $0xffff;
	_ =	sdelay $0x1  }
0x95: {  	v4 =	vor.u32 $0xA, v1;
	_ =	sdelay $0x3  }
0x96: {  	[tilespmem:v3+s13+$0x0] =	vst.idx.msk $0xffff, v2  }
0x97: {  	v2 =	vld.idx.msk [tilespmem:v4+s10+$0x0], $0xffff;
	_ =	sdelay $0x1  }
0x98: {  	v3 =	vor.u32 $0xB, v1;
	_ =	sdelay $0x3  }
0x99: {  	[tilespmem:v4+s13+$0x0] =	vst.idx.msk $0xffff, v2  }
0x9a: {  	v2 =	vld.idx.msk [tilespmem:v3+s10+$0x0], $0xffff;
	_ =	sdelay $0x1  }
0x9b: {  	v4 =	vor.u32 $0xC, v1;
	_ =	sdelay $0x3  }
0x9c: {  	[tilespmem:v3+s13+$0x0] =	vst.idx.msk $0xffff, v2  }
0x9d: {  	v2 =	vld.idx.msk [tilespmem:v4+s10+$0x0], $0xffff;
	_ =	sdelay $0x1  }
0x9e: {  	v3 =	vor.u32 $0xD, v1;
	_ =	sdelay $0x3  }
0x9f: {  	[tilespmem:v4+s13+$0x0] =	vst.idx.msk $0xffff, v2  }
0xa0: {  	v2 =	vld.idx.msk [tilespmem:v3+s10+$0x0], $0xffff;
	_ =	sdelay $0x1  }
0xa1: {  	v4 =	vor.u32 $0xE, v1;
	_ =	sdelay $0x3  }
0xa2: {  	[tilespmem:v3+s13+$0x0] =	vst.idx.msk $0xffff, v2  }
0xa3: {  	v2 =	vld.idx.msk [tilespmem:v4+s10+$0x0], $0xffff;
	_ =	sdelay $0x1  }
0xa4: {  	v3 =	vor.u32 $0xF, v1;
	_ =	sdelay $0x3  }
0xa5: {  	[tilespmem:v4+s13+$0x0] =	vst.idx.msk $0xffff, v2  }
0xa6: {  	v2 =	vld.idx.msk [tilespmem:v3+s10+$0x0], $0xffff;
	_ =	sdelay $0x1  }
0xa7: {  	v4 =	vor.u32 $0x10, v1;
	_ =	sdelay $0x3  }
0xa8: {  	[tilespmem:v3+s13+$0x0] =	vst.idx.msk $0xffff, v2  }
0xa9: {  	v2 =	vld.idx.msk [tilespmem:v4+s10+$0x0], $0xffff;
	_ =	sdelay $0x1  }
0xaa: {  	v3 =	vor.u32 $0x11, v1;
	_ =	sdelay $0x3  }
0xab: {  	[tilespmem:v4+s13+$0x0] =	vst.idx.msk $0xffff, v2  }
0xac: {  	v2 =	vld.idx.msk [tilespmem:v3+s10+$0x0], $0xffff;
	_ =	sdelay $0x1  }
0xad: {  	v4 =	vor.u32 $0x12, v1;
	_ =	sdelay $0x3  }
0xae: {  	[tilespmem:v3+s13+$0x0] =	vst.idx.msk $0xffff, v2  }
0xaf: {  	v2 =	vld.idx.msk [tilespmem:v4+s10+$0x0], $0xffff;
	_ =	sdelay $0x1  }
0xb0: {  	v3 =	vor.u32 $0x13, v1;
	_ =	sdelay $0x3  }
0xb1: {  	[tilespmem:v4+s13+$0x0] =	vst.idx.msk $0xffff, v2  }
0xb2: {  	v2 =	vld.idx.msk [tilespmem:v3+s10+$0x0], $0xffff;
	_ =	sdelay $0x1  }
0xb3: {  	v4 =	vor.u32 $0x14, v1;
	_ =	sdelay $0x3  }
0xb4: {  	[tilespmem:v3+s13+$0x0] =	vst.idx.msk $0xffff, v2  }
0xb5: {  	v2 =	vld.idx.msk [tilespmem:v4+s10+$0x0], $0xffff;
	_ =	sdelay $0x1  }
0xb6: {  	v3 =	vor.u32 $0x15, v1;
	_ =	sdelay $0x3  }
0xb7: {  	[tilespmem:v4+s13+$0x0] =	vst.idx.msk $0xffff, v2  }
0xb8: {  	v2 =	vld.idx.msk [tilespmem:v3+s10+$0x0], $0xffff;
	_ =	sdelay $0x1  }
0xb9: {  	v4 =	vor.u32 $0x16, v1;
	_ =	sdelay $0x3  }
0xba: {  	[tilespmem:v3+s13+$0x0] =	vst.idx.msk $0xffff, v2  }
0xbb: {  	v2 =	vld.idx.msk [tilespmem:v4+s10+$0x0], $0xffff;
	_ =	sdelay $0x1  }
0xbc: {  	v3 =	vor.u32 $0x17, v1;
	_ =	sdelay $0x3  }
0xbd: {  	[tilespmem:v4+s13+$0x0] =	vst.idx.msk $0xffff, v2  }
0xbe: {  	v2 =	vld.idx.msk [tilespmem:v3+s10+$0x0], $0xffff;
	_ =	sdelay $0x1  }
0xbf: {  	v4 =	vor.u32 $0x18, v1;
	_ =	sdelay $0x3  }
0xc0: {  	[tilespmem:v3+s13+$0x0] =	vst.idx.msk $0xffff, v2  }
0xc1: {  	v2 =	vld.idx.msk [tilespmem:v4+s10+$0x0], $0xffff;
	_ =	sdelay $0x1  }
0xc2: {  	v3 =	vor.u32 $0x19, v1;
	_ =	sdelay $0x3  }
0xc3: {  	[tilespmem:v4+s13+$0x0] =	vst.idx.msk $0xffff, v2  }
0xc4: {  	v2 =	vld.idx.msk [tilespmem:v3+s10+$0x0], $0xffff;
	_ =	sdelay $0x1  }
0xc5: {  	v4 =	vor.u32 $0x1A, v1;
	_ =	sdelay $0x3  }
0xc6: {  	[tilespmem:v3+s13+$0x0] =	vst.idx.msk $0xffff, v2  }
0xc7: {  	v2 =	vld.idx.msk [tilespmem:v4+s10+$0x0], $0xffff;
	_ =	sdelay $0x1  }
0xc8: {  	v3 =	vor.u32 $0x1B, v1;
	_ =	sdelay $0x3  }
0xc9: {  	[tilespmem:v4+s13+$0x0] =	vst.idx.msk $0xffff, v2  }
0xca: {  	v2 =	vld.idx.msk [tilespmem:v3+s10+$0x0], $0xffff;
	_ =	sdelay $0x1  }
0xcb: {  	v4 =	vor.u32 $0x1C, v1;
	_ =	sdelay $0x3  }
0xcc: {  	[tilespmem:v3+s13+$0x0] =	vst.idx.msk $0xffff, v2  }
0xcd: {  	v2 =	vld.idx.msk [tilespmem:v4+s10+$0x0], $0xffff;
	_ =	sdelay $0x1  }
0xce: {  	v3 =	vor.u32 $0x1D, v1;
	_ =	sdelay $0x3  }
0xcf: {  	[tilespmem:v4+s13+$0x0] =	vst.idx.msk $0xffff, v2  }
0xd0: {  	v2 =	vld.idx.msk [tilespmem:v3+s10+$0x0], $0xffff;
	_ =	sdelay $0x1  }
0xd1: {  	v4 =	vor.u32 $0x1E, v1;
	_ =	sdelay $0x3  }
0xd2: {  	[tilespmem:v3+s13+$0x0] =	vst.idx.msk $0xffff, v2  }
0xd3: {  	v3 =	vld.idx.msk [tilespmem:v4+s10+$0x0], $0xffff;
	_ =	sdelay $0x1  }
0xd4: {  	v2 =	vor.u32 $0x1F, v1  }
.Ltmp0:
0xd5: {  	(pc) =	sbr.rel @p0 .LBB2_3-.Ltmp0, $3  }
0xd6: {  	_ =	sdelay $0x1  }
0xd7: {  	[tilespmem:v4+s13+$0x0] =	vst.idx.msk $0xffff, v3  }
0xd8: {  	v1 =	vmov s19;
	s19 =	sadd.s32 $0x10, s19;
	v3 =	vld.idx.msk [tilespmem:v2+s10+$0x0], $0xffff  }
0xd9: {  	v1 =	vshll.u32 v1, $0x7  }
0xda: {  	v1 =	vor.u32 v0, v1;
	_ =	sdelay $0x3  }
0xdb: {  	[tilespmem:v2+s13+$0x0] =	vst.idx.msk $0xffff, v3  }
0xdc: {  	v2 =	vld.idx.msk [tilespmem:v1+s10+$0x0], $0xffff  }
0xdd: {  	v3 =	vor.u32 $0x1, v1;
	_ =	sdelay $0x3  }
0xde: {  	[tilespmem:v1+s13+$0x0] =	vst.idx.msk $0xffff, v2  }
0xdf: {  	v2 =	vld.idx.msk [tilespmem:v3+s10+$0x0], $0xffff  }
0xe0: {  	v4 =	vor.u32 $0x2, v1;
	_ =	sdelay $0x3  }
0xe1: {  	[tilespmem:v3+s13+$0x0] =	vst.idx.msk $0xffff, v2  }
0xe2: {  	v2 =	vld.idx.msk [tilespmem:v4+s10+$0x0], $0xffff  }
0xe3: {  	v3 =	vor.u32 $0x3, v1;
	_ =	sdelay $0x3  }
0xe4: {  	[tilespmem:v4+s13+$0x0] =	vst.idx.msk $0xffff, v2  }
0xe5: {  	v2 =	vld.idx.msk [tilespmem:v3+s10+$0x0], $0xffff  }
0xe6: {  	v4 =	vor.u32 $0x4, v1;
	_ =	sdelay $0x3  }
0xe7: {  	[tilespmem:v3+s13+$0x0] =	vst.idx.msk $0xffff, v2  }
0xe8: {  	v2 =	vld.idx.msk [tilespmem:v4+s10+$0x0], $0xffff  }
0xe9: {  	v3 =	vor.u32 $0x5, v1;
	_ =	sdelay $0x3  }
0xea: {  	[tilespmem:v4+s13+$0x0] =	vst.idx.msk $0xffff, v2  }
0xeb: {  	v2 =	vld.idx.msk [tilespmem:v3+s10+$0x0], $0xffff  }
0xec: {  	v4 =	vor.u32 $0x6, v1;
	_ =	sdelay $0x3  }
0xed: {  	[tilespmem:v3+s13+$0x0] =	vst.idx.msk $0xffff, v2  }
0xee: {  	v2 =	vld.idx.msk [tilespmem:v4+s10+$0x0], $0xffff  }
0xef: {  	v3 =	vor.u32 $0x7, v1;
	_ =	sdelay $0x3  }
0xf0: {  	[tilespmem:v4+s13+$0x0] =	vst.idx.msk $0xffff, v2  }
0xf1: {  	v2 =	vld.idx.msk [tilespmem:v3+s10+$0x0], $0xffff  }
0xf2: {  	v4 =	vor.u32 $0x8, v1;
	_ =	sdelay $0x3  }
0xf3: {  	[tilespmem:v3+s13+$0x0] =	vst.idx.msk $0xffff, v2  }
0xf4: {  	v2 =	vld.idx.msk [tilespmem:v4+s10+$0x0], $0xffff  }
0xf5: {  	v3 =	vor.u32 $0x9, v1;
	_ =	sdelay $0x3  }
0xf6: {  	[tilespmem:v4+s13+$0x0] =	vst.idx.msk $0xffff, v2  }
0xf7: {  	v2 =	vld.idx.msk [tilespmem:v3+s10+$0x0], $0xffff  }
0xf8: {  	v4 =	vor.u32 $0xA, v1;
	_ =	sdelay $0x3  }
0xf9: {  	[tilespmem:v3+s13+$0x0] =	vst.idx.msk $0xffff, v2  }
0xfa: {  	v2 =	vld.idx.msk [tilespmem:v4+s10+$0x0], $0xffff  }
0xfb: {  	v3 =	vor.u32 $0xB, v1;
	_ =	sdelay $0x3  }
0xfc: {  	[tilespmem:v4+s13+$0x0] =	vst.idx.msk $0xffff, v2  }
0xfd: {  	v2 =	vld.idx.msk [tilespmem:v3+s10+$0x0], $0xffff  }
0xfe: {  	v4 =	vor.u32 $0xC, v1;
	_ =	sdelay $0x3  }
0xff: {  	[tilespmem:v3+s13+$0x0] =	vst.idx.msk $0xffff, v2  }
0x100: {  	v2 =	vld.idx.msk [tilespmem:v4+s10+$0x0], $0xffff  }
0x101: {  	v3 =	vor.u32 $0xD, v1;
	_ =	sdelay $0x3  }
0x102: {  	[tilespmem:v4+s13+$0x0] =	vst.idx.msk $0xffff, v2  }
0x103: {  	v2 =	vld.idx.msk [tilespmem:v3+s10+$0x0], $0xffff  }
0x104: {  	v4 =	vor.u32 $0xE, v1;
	_ =	sdelay $0x3  }
0x105: {  	[tilespmem:v3+s13+$0x0] =	vst.idx.msk $0xffff, v2  }
0x106: {  	v2 =	vld.idx.msk [tilespmem:v4+s10+$0x0], $0xffff  }
0x107: {  	v3 =	vor.u32 $0xF, v1;
	_ =	sdelay $0x3  }
0x108: {  	[tilespmem:v4+s13+$0x0] =	vst.idx.msk $0xffff, v2  }
0x109: {  	v2 =	vld.idx.msk [tilespmem:v3+s10+$0x0], $0xffff  }
0x10a: {  	v4 =	vor.u32 $0x10, v1;
	_ =	sdelay $0x3  }
0x10b: {  	[tilespmem:v3+s13+$0x0] =	vst.idx.msk $0xffff, v2  }
0x10c: {  	v2 =	vld.idx.msk [tilespmem:v4+s10+$0x0], $0xffff  }
0x10d: {  	v3 =	vor.u32 $0x11, v1;
	_ =	sdelay $0x3  }
0x10e: {  	[tilespmem:v4+s13+$0x0] =	vst.idx.msk $0xffff, v2  }
0x10f: {  	v2 =	vld.idx.msk [tilespmem:v3+s10+$0x0], $0xffff  }
0x110: {  	v4 =	vor.u32 $0x12, v1;
	_ =	sdelay $0x3  }
0x111: {  	[tilespmem:v3+s13+$0x0] =	vst.idx.msk $0xffff, v2  }
0x112: {  	v2 =	vld.idx.msk [tilespmem:v4+s10+$0x0], $0xffff  }
0x113: {  	v3 =	vor.u32 $0x13, v1;
	_ =	sdelay $0x3  }
0x114: {  	[tilespmem:v4+s13+$0x0] =	vst.idx.msk $0xffff, v2  }
0x115: {  	v2 =	vld.idx.msk [tilespmem:v3+s10+$0x0], $0xffff  }
0x116: {  	v4 =	vor.u32 $0x14, v1;
	_ =	sdelay $0x3  }
0x117: {  	[tilespmem:v3+s13+$0x0] =	vst.idx.msk $0xffff, v2  }
0x118: {  	v2 =	vld.idx.msk [tilespmem:v4+s10+$0x0], $0xffff  }
0x119: {  	v3 =	vor.u32 $0x15, v1;
	_ =	sdelay $0x3  }
0x11a: {  	[tilespmem:v4+s13+$0x0] =	vst.idx.msk $0xffff, v2  }
0x11b: {  	v2 =	vld.idx.msk [tilespmem:v3+s10+$0x0], $0xffff  }
0x11c: {  	v4 =	vor.u32 $0x16, v1;
	_ =	sdelay $0x3  }
0x11d: {  	[tilespmem:v3+s13+$0x0] =	vst.idx.msk $0xffff, v2  }
0x11e: {  	v2 =	vld.idx.msk [tilespmem:v4+s10+$0x0], $0xffff  }
0x11f: {  	v3 =	vor.u32 $0x17, v1;
	_ =	sdelay $0x3  }
0x120: {  	[tilespmem:v4+s13+$0x0] =	vst.idx.msk $0xffff, v2  }
0x121: {  	v2 =	vld.idx.msk [tilespmem:v3+s10+$0x0], $0xffff  }
0x122: {  	v4 =	vor.u32 $0x18, v1;
	_ =	sdelay $0x3  }
0x123: {  	[tilespmem:v3+s13+$0x0] =	vst.idx.msk $0xffff, v2  }
0x124: {  	v2 =	vld.idx.msk [tilespmem:v4+s10+$0x0], $0xffff  }
0x125: {  	v3 =	vor.u32 $0x19, v1;
	_ =	sdelay $0x3  }
0x126: {  	[tilespmem:v4+s13+$0x0] =	vst.idx.msk $0xffff, v2  }
0x127: {  	v2 =	vld.idx.msk [tilespmem:v3+s10+$0x0], $0xffff  }
0x128: {  	v4 =	vor.u32 $0x1A, v1;
	_ =	sdelay $0x3  }
0x129: {  	[tilespmem:v3+s13+$0x0] =	vst.idx.msk $0xffff, v2  }
0x12a: {  	v2 =	vld.idx.msk [tilespmem:v4+s10+$0x0], $0xffff  }
0x12b: {  	v3 =	vor.u32 $0x1B, v1;
	_ =	sdelay $0x3  }
0x12c: {  	[tilespmem:v4+s13+$0x0] =	vst.idx.msk $0xffff, v2  }
0x12d: {  	v2 =	vld.idx.msk [tilespmem:v3+s10+$0x0], $0xffff  }
0x12e: {  	v4 =	vor.u32 $0x1C, v1;
	_ =	sdelay $0x3  }
0x12f: {  	[tilespmem:v3+s13+$0x0] =	vst.idx.msk $0xffff, v2  }
0x130: {  	v2 =	vld.idx.msk [tilespmem:v4+s10+$0x0], $0xffff  }
0x131: {  	v3 =	vor.u32 $0x1D, v1;
	_ =	sdelay $0x3  }
0x132: {  	[tilespmem:v4+s13+$0x0] =	vst.idx.msk $0xffff, v2  }
0x133: {  	v2 =	vld.idx.msk [tilespmem:v3+s10+$0x0], $0xffff  }
0x134: {  	v4 =	vor.u32 $0x1E, v1;
	_ =	sdelay $0x3  }
0x135: {  	[tilespmem:v3+s13+$0x0] =	vst.idx.msk $0xffff, v2  }
0x136: {  	v2 =	vld.idx.msk [tilespmem:v4+s10+$0x0], $0xffff  }
0x137: {  	v1 =	vor.u32 $0x1F, v1;
	_ =	sdelay $0x3  }
0x138: {  	[tilespmem:v4+s13+$0x0] =	vst.idx.msk $0xffff, v2  }
0x139: {  	v2 =	vld.idx.msk [tilespmem:v1+s10+$0x0], $0xffff;
	_ =	sdelay $0x1  }
0x13a: {  	s19 =	sshll.u32 s17, $0xF  }
0x13b: {  	s19 =	sadd.s32 s6, s19  }
0x13c: {  	s19 =	sshrl.u32 s19, $0x3  }
0x13d: {  	p0 =	seq.s32 s17, $0x33;
	s30 =	simm.s32 $0x0;
	s19 =	sadd.s32 s4, s19;
	[tilespmem:v1+s13+$0x0] =	vst.idx.msk $0xffff, v2  }
0x13e: {  	[hbm4b:s19+s2] =	stream.linear.scatter [tilespmem:s13], [sflag:$0x3], $0x4000, $0x38;
	[tilespmem:$0x13400] =	vst v63  }
0x13f: {  	s20 =	sshll.u32 @!p0 s17, $0x8;
	v1 =	vmov s30;
	_ =	swait.ge [sflag:s8], $0x4000  }
0x140: {  	s21 =	simm.s32 @!p0 $0x3400;
	s19 =	sand.u32 @!p0 $0x3FFFFF00, s20;
	v1 =	vshll.u32 v1, $0x7;
	[sflag:s8] =	ssyncset.done $0x0  }
0x141: {  	s20 =	simm.s32 @!p0 $0x80;
	s19 =	sadd.s32 @!p0 $0x100, s19;
	v1 =	vor.u32 v0, v1;
	[sflag:s8] =	ssyncadd.s32 $0xFFFFC000  }
0x142: {  	[tilespmem:s21], [sflag:$0x1] =	stream.indirect.gather @!p0 [hbm4b:s3+s20], $0x80, s19, s20, $0xb8;
	[tilespmem:$0x13400] =	vst v63  }
0x143: {  	_ =	swait.ge [sflag:s14], $0x4000  }
0x144: {  	[sflag:s14] =	ssyncset.done $0x0  }
0x145: {  	[sflag:s14] =	ssyncadd.s32 $0xFFFFC000  }
0x146: {  	v2 =	vld.idx.msk [tilespmem:v1+s11+$0x0], $0xffff  }
0x147: {  	v3 =	vor.u32 $0x1, v1;
	_ =	sdelay $0x3  }
0x148: {  	[tilespmem:v1+s15+$0x0] =	vst.idx.msk $0xffff, v2  }
0x149: {  	v2 =	vld.idx.msk [tilespmem:v3+s11+$0x0], $0xffff  }
0x14a: {  	v4 =	vor.u32 $0x2, v1;
	_ =	sdelay $0x3  }
0x14b: {  	[tilespmem:v3+s15+$0x0] =	vst.idx.msk $0xffff, v2  }
0x14c: {  	v2 =	vld.idx.msk [tilespmem:v4+s11+$0x0], $0xffff  }
0x14d: {  	v3 =	vor.u32 $0x3, v1;
	_ =	sdelay $0x3  }
0x14e: {  	[tilespmem:v4+s15+$0x0] =	vst.idx.msk $0xffff, v2  }
0x14f: {  	v2 =	vld.idx.msk [tilespmem:v3+s11+$0x0], $0xffff  }
0x150: {  	v4 =	vor.u32 $0x4, v1;
	_ =	sdelay $0x3  }
0x151: {  	[tilespmem:v3+s15+$0x0] =	vst.idx.msk $0xffff, v2  }
0x152: {  	v2 =	vld.idx.msk [tilespmem:v4+s11+$0x0], $0xffff  }
0x153: {  	v3 =	vor.u32 $0x5, v1;
	_ =	sdelay $0x3  }
0x154: {  	[tilespmem:v4+s15+$0x0] =	vst.idx.msk $0xffff, v2  }
0x155: {  	v2 =	vld.idx.msk [tilespmem:v3+s11+$0x0], $0xffff  }
0x156: {  	v4 =	vor.u32 $0x6, v1;
	_ =	sdelay $0x3  }
0x157: {  	[tilespmem:v3+s15+$0x0] =	vst.idx.msk $0xffff, v2  }
0x158: {  	v2 =	vld.idx.msk [tilespmem:v4+s11+$0x0], $0xffff  }
0x159: {  	v3 =	vor.u32 $0x7, v1;
	_ =	sdelay $0x3  }
0x15a: {  	[tilespmem:v4+s15+$0x0] =	vst.idx.msk $0xffff, v2  }
0x15b: {  	v2 =	vld.idx.msk [tilespmem:v3+s11+$0x0], $0xffff  }
0x15c: {  	v4 =	vor.u32 $0x8, v1;
	_ =	sdelay $0x3  }
0x15d: {  	[tilespmem:v3+s15+$0x0] =	vst.idx.msk $0xffff, v2  }
0x15e: {  	v2 =	vld.idx.msk [tilespmem:v4+s11+$0x0], $0xffff  }
0x15f: {  	v3 =	vor.u32 $0x9, v1;
	_ =	sdelay $0x3  }
0x160: {  	[tilespmem:v4+s15+$0x0] =	vst.idx.msk $0xffff, v2  }
0x161: {  	v2 =	vld.idx.msk [tilespmem:v3+s11+$0x0], $0xffff  }
0x162: {  	v4 =	vor.u32 $0xA, v1;
	_ =	sdelay $0x3  }
0x163: {  	[tilespmem:v3+s15+$0x0] =	vst.idx.msk $0xffff, v2  }
0x164: {  	v2 =	vld.idx.msk [tilespmem:v4+s11+$0x0], $0xffff  }
0x165: {  	v3 =	vor.u32 $0xB, v1;
	_ =	sdelay $0x3  }
0x166: {  	[tilespmem:v4+s15+$0x0] =	vst.idx.msk $0xffff, v2  }
0x167: {  	v2 =	vld.idx.msk [tilespmem:v3+s11+$0x0], $0xffff  }
0x168: {  	v4 =	vor.u32 $0xC, v1;
	_ =	sdelay $0x3  }
0x169: {  	[tilespmem:v3+s15+$0x0] =	vst.idx.msk $0xffff, v2  }
0x16a: {  	v2 =	vld.idx.msk [tilespmem:v4+s11+$0x0], $0xffff  }
0x16b: {  	v3 =	vor.u32 $0xD, v1;
	_ =	sdelay $0x3  }
0x16c: {  	[tilespmem:v4+s15+$0x0] =	vst.idx.msk $0xffff, v2  }
0x16d: {  	v2 =	vld.idx.msk [tilespmem:v3+s11+$0x0], $0xffff  }
0x16e: {  	v4 =	vor.u32 $0xE, v1;
	_ =	sdelay $0x3  }
0x16f: {  	[tilespmem:v3+s15+$0x0] =	vst.idx.msk $0xffff, v2  }
0x170: {  	v2 =	vld.idx.msk [tilespmem:v4+s11+$0x0], $0xffff  }
0x171: {  	v3 =	vor.u32 $0xF, v1;
	_ =	sdelay $0x3  }
0x172: {  	[tilespmem:v4+s15+$0x0] =	vst.idx.msk $0xffff, v2  }
0x173: {  	v2 =	vld.idx.msk [tilespmem:v3+s11+$0x0], $0xffff  }
0x174: {  	v4 =	vor.u32 $0x10, v1;
	_ =	sdelay $0x3  }
0x175: {  	[tilespmem:v3+s15+$0x0] =	vst.idx.msk $0xffff, v2  }
0x176: {  	v2 =	vld.idx.msk [tilespmem:v4+s11+$0x0], $0xffff  }
0x177: {  	v3 =	vor.u32 $0x11, v1;
	_ =	sdelay $0x3  }
0x178: {  	[tilespmem:v4+s15+$0x0] =	vst.idx.msk $0xffff, v2  }
0x179: {  	v2 =	vld.idx.msk [tilespmem:v3+s11+$0x0], $0xffff  }
0x17a: {  	v4 =	vor.u32 $0x12, v1;
	_ =	sdelay $0x3  }
0x17b: {  	[tilespmem:v3+s15+$0x0] =	vst.idx.msk $0xffff, v2  }
0x17c: {  	v2 =	vld.idx.msk [tilespmem:v4+s11+$0x0], $0xffff  }
0x17d: {  	v3 =	vor.u32 $0x13, v1;
	_ =	sdelay $0x3  }
0x17e: {  	[tilespmem:v4+s15+$0x0] =	vst.idx.msk $0xffff, v2  }
0x17f: {  	v2 =	vld.idx.msk [tilespmem:v3+s11+$0x0], $0xffff  }
0x180: {  	v4 =	vor.u32 $0x14, v1;
	_ =	sdelay $0x3  }
0x181: {  	[tilespmem:v3+s15+$0x0] =	vst.idx.msk $0xffff, v2  }
0x182: {  	v2 =	vld.idx.msk [tilespmem:v4+s11+$0x0], $0xffff  }
0x183: {  	v3 =	vor.u32 $0x15, v1;
	_ =	sdelay $0x3  }
0x184: {  	[tilespmem:v4+s15+$0x0] =	vst.idx.msk $0xffff, v2  }
0x185: {  	v2 =	vld.idx.msk [tilespmem:v3+s11+$0x0], $0xffff  }
0x186: {  	v4 =	vor.u32 $0x16, v1;
	_ =	sdelay $0x3  }
0x187: {  	[tilespmem:v3+s15+$0x0] =	vst.idx.msk $0xffff, v2  }
0x188: {  	v2 =	vld.idx.msk [tilespmem:v4+s11+$0x0], $0xffff  }
0x189: {  	v3 =	vor.u32 $0x17, v1;
	_ =	sdelay $0x3  }
0x18a: {  	[tilespmem:v4+s15+$0x0] =	vst.idx.msk $0xffff, v2  }
0x18b: {  	v2 =	vld.idx.msk [tilespmem:v3+s11+$0x0], $0xffff  }
0x18c: {  	v4 =	vor.u32 $0x18, v1;
	_ =	sdelay $0x3  }
0x18d: {  	[tilespmem:v3+s15+$0x0] =	vst.idx.msk $0xffff, v2  }
0x18e: {  	v2 =	vld.idx.msk [tilespmem:v4+s11+$0x0], $0xffff  }
0x18f: {  	v3 =	vor.u32 $0x19, v1;
	_ =	sdelay $0x3  }
0x190: {  	[tilespmem:v4+s15+$0x0] =	vst.idx.msk $0xffff, v2  }
0x191: {  	v2 =	vld.idx.msk [tilespmem:v3+s11+$0x0], $0xffff  }
0x192: {  	v4 =	vor.u32 $0x1A, v1;
	_ =	sdelay $0x3  }
0x193: {  	[tilespmem:v3+s15+$0x0] =	vst.idx.msk $0xffff, v2  }
0x194: {  	v2 =	vld.idx.msk [tilespmem:v4+s11+$0x0], $0xffff  }
0x195: {  	v3 =	vor.u32 $0x1B, v1;
	_ =	sdelay $0x3  }
0x196: {  	[tilespmem:v4+s15+$0x0] =	vst.idx.msk $0xffff, v2  }
0x197: {  	v2 =	vld.idx.msk [tilespmem:v3+s11+$0x0], $0xffff  }
0x198: {  	v4 =	vor.u32 $0x1C, v1;
	_ =	sdelay $0x3  }
0x199: {  	[tilespmem:v3+s15+$0x0] =	vst.idx.msk $0xffff, v2  }
0x19a: {  	v2 =	vld.idx.msk [tilespmem:v4+s11+$0x0], $0xffff  }
0x19b: {  	v3 =	vor.u32 $0x1D, v1;
	_ =	sdelay $0x3  }
0x19c: {  	[tilespmem:v4+s15+$0x0] =	vst.idx.msk $0xffff, v2  }
0x19d: {  	v2 =	vld.idx.msk [tilespmem:v3+s11+$0x0], $0xffff  }
0x19e: {  	v4 =	vor.u32 $0x1E, v1;
	_ =	sdelay $0x3  }
0x19f: {  	[tilespmem:v3+s15+$0x0] =	vst.idx.msk $0xffff, v2  }
0x1a0: {  	v3 =	vld.idx.msk [tilespmem:v4+s11+$0x0], $0xffff  }
0x1a1: {  	v2 =	vor.u32 $0x1F, v1;
	_ =	sdelay $0x3  }
0x1a2: {  	s31 =	simm.s32 $0x10;
	[tilespmem:v4+s15+$0x0] =	vst.idx.msk $0xffff, v3  }
0x1a3: {  	s19 =	simm.s32 $0x20;
	v1 =	vmov s31;
	v3 =	vld.idx.msk [tilespmem:v2+s11+$0x0], $0xffff  }
.LBB2_5:
0x1a4: {  	p0 =	sne.s32 s19, $0x70;
	v1 =	vshll.u32 v1, $0x7  }
0x1a5: {  	v1 =	vor.u32 v0, v1;
	_ =	sdelay $0x3  }
0x1a6: {  	[tilespmem:v2+s15+$0x0] =	vst.idx.msk $0xffff, v3  }
0x1a7: {  	v2 =	vld.idx.msk [tilespmem:v1+s11+$0x0], $0xffff;
	_ =	sdelay $0x1  }
0x1a8: {  	v3 =	vor.u32 $0x1, v1;
	_ =	sdelay $0x3  }
0x1a9: {  	[tilespmem:v1+s15+$0x0] =	vst.idx.msk $0xffff, v2  }
0x1aa: {  	v2 =	vld.idx.msk [tilespmem:v3+s11+$0x0], $0xffff;
	_ =	sdelay $0x1  }
0x1ab: {  	v4 =	vor.u32 $0x2, v1;
	_ =	sdelay $0x3  }
0x1ac: {  	[tilespmem:v3+s15+$0x0] =	vst.idx.msk $0xffff, v2  }
0x1ad: {  	v2 =	vld.idx.msk [tilespmem:v4+s11+$0x0], $0xffff;
	_ =	sdelay $0x1  }
0x1ae: {  	v3 =	vor.u32 $0x3, v1;
	_ =	sdelay $0x3  }
0x1af: {  	[tilespmem:v4+s15+$0x0] =	vst.idx.msk $0xffff, v2  }
0x1b0: {  	v2 =	vld.idx.msk [tilespmem:v3+s11+$0x0], $0xffff;
	_ =	sdelay $0x1  }
0x1b1: {  	v4 =	vor.u32 $0x4, v1;
	_ =	sdelay $0x3  }
0x1b2: {  	[tilespmem:v3+s15+$0x0] =	vst.idx.msk $0xffff, v2  }
0x1b3: {  	v2 =	vld.idx.msk [tilespmem:v4+s11+$0x0], $0xffff;
	_ =	sdelay $0x1  }
0x1b4: {  	v3 =	vor.u32 $0x5, v1;
	_ =	sdelay $0x3  }
0x1b5: {  	[tilespmem:v4+s15+$0x0] =	vst.idx.msk $0xffff, v2  }
0x1b6: {  	v2 =	vld.idx.msk [tilespmem:v3+s11+$0x0], $0xffff;
	_ =	sdelay $0x1  }
0x1b7: {  	v4 =	vor.u32 $0x6, v1;
	_ =	sdelay $0x3  }
0x1b8: {  	[tilespmem:v3+s15+$0x0] =	vst.idx.msk $0xffff, v2  }
0x1b9: {  	v2 =	vld.idx.msk [tilespmem:v4+s11+$0x0], $0xffff;
	_ =	sdelay $0x1  }
0x1ba: {  	v3 =	vor.u32 $0x7, v1;
	_ =	sdelay $0x3  }
0x1bb: {  	[tilespmem:v4+s15+$0x0] =	vst.idx.msk $0xffff, v2  }
0x1bc: {  	v2 =	vld.idx.msk [tilespmem:v3+s11+$0x0], $0xffff;
	_ =	sdelay $0x1  }
0x1bd: {  	v4 =	vor.u32 $0x8, v1;
	_ =	sdelay $0x3  }
0x1be: {  	[tilespmem:v3+s15+$0x0] =	vst.idx.msk $0xffff, v2  }
0x1bf: {  	v2 =	vld.idx.msk [tilespmem:v4+s11+$0x0], $0xffff;
	_ =	sdelay $0x1  }
0x1c0: {  	v3 =	vor.u32 $0x9, v1;
	_ =	sdelay $0x3  }
0x1c1: {  	[tilespmem:v4+s15+$0x0] =	vst.idx.msk $0xffff, v2  }
0x1c2: {  	v2 =	vld.idx.msk [tilespmem:v3+s11+$0x0], $0xffff;
	_ =	sdelay $0x1  }
0x1c3: {  	v4 =	vor.u32 $0xA, v1;
	_ =	sdelay $0x3  }
0x1c4: {  	[tilespmem:v3+s15+$0x0] =	vst.idx.msk $0xffff, v2  }
0x1c5: {  	v2 =	vld.idx.msk [tilespmem:v4+s11+$0x0], $0xffff;
	_ =	sdelay $0x1  }
0x1c6: {  	v3 =	vor.u32 $0xB, v1;
	_ =	sdelay $0x3  }
0x1c7: {  	[tilespmem:v4+s15+$0x0] =	vst.idx.msk $0xffff, v2  }
0x1c8: {  	v2 =	vld.idx.msk [tilespmem:v3+s11+$0x0], $0xffff;
	_ =	sdelay $0x1  }
0x1c9: {  	v4 =	vor.u32 $0xC, v1;
	_ =	sdelay $0x3  }
0x1ca: {  	[tilespmem:v3+s15+$0x0] =	vst.idx.msk $0xffff, v2  }
0x1cb: {  	v2 =	vld.idx.msk [tilespmem:v4+s11+$0x0], $0xffff;
	_ =	sdelay $0x1  }
0x1cc: {  	v3 =	vor.u32 $0xD, v1;
	_ =	sdelay $0x3  }
0x1cd: {  	[tilespmem:v4+s15+$0x0] =	vst.idx.msk $0xffff, v2  }
0x1ce: {  	v2 =	vld.idx.msk [tilespmem:v3+s11+$0x0], $0xffff;
	_ =	sdelay $0x1  }
0x1cf: {  	v4 =	vor.u32 $0xE, v1;
	_ =	sdelay $0x3  }
0x1d0: {  	[tilespmem:v3+s15+$0x0] =	vst.idx.msk $0xffff, v2  }
0x1d1: {  	v2 =	vld.idx.msk [tilespmem:v4+s11+$0x0], $0xffff;
	_ =	sdelay $0x1  }
0x1d2: {  	v3 =	vor.u32 $0xF, v1;
	_ =	sdelay $0x3  }
0x1d3: {  	[tilespmem:v4+s15+$0x0] =	vst.idx.msk $0xffff, v2  }
0x1d4: {  	v2 =	vld.idx.msk [tilespmem:v3+s11+$0x0], $0xffff;
	_ =	sdelay $0x1  }
0x1d5: {  	v4 =	vor.u32 $0x10, v1;
	_ =	sdelay $0x3  }
0x1d6: {  	[tilespmem:v3+s15+$0x0] =	vst.idx.msk $0xffff, v2  }
0x1d7: {  	v2 =	vld.idx.msk [tilespmem:v4+s11+$0x0], $0xffff;
	_ =	sdelay $0x1  }
0x1d8: {  	v3 =	vor.u32 $0x11, v1;
	_ =	sdelay $0x3  }
0x1d9: {  	[tilespmem:v4+s15+$0x0] =	vst.idx.msk $0xffff, v2  }
0x1da: {  	v2 =	vld.idx.msk [tilespmem:v3+s11+$0x0], $0xffff;
	_ =	sdelay $0x1  }
0x1db: {  	v4 =	vor.u32 $0x12, v1;
	_ =	sdelay $0x3  }
0x1dc: {  	[tilespmem:v3+s15+$0x0] =	vst.idx.msk $0xffff, v2  }
0x1dd: {  	v2 =	vld.idx.msk [tilespmem:v4+s11+$0x0], $0xffff;
	_ =	sdelay $0x1  }
0x1de: {  	v3 =	vor.u32 $0x13, v1;
	_ =	sdelay $0x3  }
0x1df: {  	[tilespmem:v4+s15+$0x0] =	vst.idx.msk $0xffff, v2  }
0x1e0: {  	v2 =	vld.idx.msk [tilespmem:v3+s11+$0x0], $0xffff;
	_ =	sdelay $0x1  }
0x1e1: {  	v4 =	vor.u32 $0x14, v1;
	_ =	sdelay $0x3  }
0x1e2: {  	[tilespmem:v3+s15+$0x0] =	vst.idx.msk $0xffff, v2  }
0x1e3: {  	v2 =	vld.idx.msk [tilespmem:v4+s11+$0x0], $0xffff;
	_ =	sdelay $0x1  }
0x1e4: {  	v3 =	vor.u32 $0x15, v1;
	_ =	sdelay $0x3  }
0x1e5: {  	[tilespmem:v4+s15+$0x0] =	vst.idx.msk $0xffff, v2  }
0x1e6: {  	v2 =	vld.idx.msk [tilespmem:v3+s11+$0x0], $0xffff;
	_ =	sdelay $0x1  }
0x1e7: {  	v4 =	vor.u32 $0x16, v1;
	_ =	sdelay $0x3  }
0x1e8: {  	[tilespmem:v3+s15+$0x0] =	vst.idx.msk $0xffff, v2  }
0x1e9: {  	v2 =	vld.idx.msk [tilespmem:v4+s11+$0x0], $0xffff;
	_ =	sdelay $0x1  }
0x1ea: {  	v3 =	vor.u32 $0x17, v1;
	_ =	sdelay $0x3  }
0x1eb: {  	[tilespmem:v4+s15+$0x0] =	vst.idx.msk $0xffff, v2  }
0x1ec: {  	v2 =	vld.idx.msk [tilespmem:v3+s11+$0x0], $0xffff;
	_ =	sdelay $0x1  }
0x1ed: {  	v4 =	vor.u32 $0x18, v1;
	_ =	sdelay $0x3  }
0x1ee: {  	[tilespmem:v3+s15+$0x0] =	vst.idx.msk $0xffff, v2  }
0x1ef: {  	v2 =	vld.idx.msk [tilespmem:v4+s11+$0x0], $0xffff;
	_ =	sdelay $0x1  }
0x1f0: {  	v3 =	vor.u32 $0x19, v1;
	_ =	sdelay $0x3  }
0x1f1: {  	[tilespmem:v4+s15+$0x0] =	vst.idx.msk $0xffff, v2  }
0x1f2: {  	v2 =	vld.idx.msk [tilespmem:v3+s11+$0x0], $0xffff;
	_ =	sdelay $0x1  }
0x1f3: {  	v4 =	vor.u32 $0x1A, v1;
	_ =	sdelay $0x3  }
0x1f4: {  	[tilespmem:v3+s15+$0x0] =	vst.idx.msk $0xffff, v2  }
0x1f5: {  	v2 =	vld.idx.msk [tilespmem:v4+s11+$0x0], $0xffff;
	_ =	sdelay $0x1  }
0x1f6: {  	v3 =	vor.u32 $0x1B, v1;
	_ =	sdelay $0x3  }
0x1f7: {  	[tilespmem:v4+s15+$0x0] =	vst.idx.msk $0xffff, v2  }
0x1f8: {  	v2 =	vld.idx.msk [tilespmem:v3+s11+$0x0], $0xffff;
	_ =	sdelay $0x1  }
0x1f9: {  	v4 =	vor.u32 $0x1C, v1;
	_ =	sdelay $0x3  }
0x1fa: {  	[tilespmem:v3+s15+$0x0] =	vst.idx.msk $0xffff, v2  }
0x1fb: {  	v2 =	vld.idx.msk [tilespmem:v4+s11+$0x0], $0xffff;
	_ =	sdelay $0x1  }
0x1fc: {  	v3 =	vor.u32 $0x1D, v1;
	_ =	sdelay $0x3  }
0x1fd: {  	[tilespmem:v4+s15+$0x0] =	vst.idx.msk $0xffff, v2  }
0x1fe: {  	v2 =	vld.idx.msk [tilespmem:v3+s11+$0x0], $0xffff;
	_ =	sdelay $0x1  }
0x1ff: {  	v4 =	vor.u32 $0x1E, v1;
	_ =	sdelay $0x3  }
0x200: {  	[tilespmem:v3+s15+$0x0] =	vst.idx.msk $0xffff, v2  }
0x201: {  	v3 =	vld.idx.msk [tilespmem:v4+s11+$0x0], $0xffff;
	_ =	sdelay $0x1  }
0x202: {  	v2 =	vor.u32 $0x1F, v1  }
.Ltmp1:
0x203: {  	(pc) =	sbr.rel @p0 .LBB2_5-.Ltmp1, $3  }
0x204: {  	_ =	sdelay $0x1  }
0x205: {  	[tilespmem:v4+s15+$0x0] =	vst.idx.msk $0xffff, v3  }
0x206: {  	v1 =	vmov s19;
	s19 =	sadd.s32 $0x10, s19;
	v3 =	vld.idx.msk [tilespmem:v2+s11+$0x0], $0xffff  }
0x207: {  	v1 =	vshll.u32 v1, $0x7  }
0x208: {  	v1 =	vor.u32 v0, v1;
	_ =	sdelay $0x3  }
0x209: {  	[tilespmem:v2+s15+$0x0] =	vst.idx.msk $0xffff, v3  }
0x20a: {  	v2 =	vld.idx.msk [tilespmem:v1+s11+$0x0], $0xffff  }
0x20b: {  	v3 =	vor.u32 $0x1, v1;
	_ =	sdelay $0x3  }
0x20c: {  	[tilespmem:v1+s15+$0x0] =	vst.idx.msk $0xffff, v2  }
0x20d: {  	v2 =	vld.idx.msk [tilespmem:v3+s11+$0x0], $0xffff  }
0x20e: {  	v4 =	vor.u32 $0x2, v1;
	_ =	sdelay $0x3  }
0x20f: {  	[tilespmem:v3+s15+$0x0] =	vst.idx.msk $0xffff, v2  }
0x210: {  	v2 =	vld.idx.msk [tilespmem:v4+s11+$0x0], $0xffff  }
0x211: {  	v3 =	vor.u32 $0x3, v1;
	_ =	sdelay $0x3  }
0x212: {  	[tilespmem:v4+s15+$0x0] =	vst.idx.msk $0xffff, v2  }
0x213: {  	v2 =	vld.idx.msk [tilespmem:v3+s11+$0x0], $0xffff  }
0x214: {  	v50 =	vor.u32 $0x4, v1;
	_ =	sdelay $0x3  }
0x215: {  	[tilespmem:v3+s15+$0x0] =	vst.idx.msk $0xffff, v2  }
0x216: {  	v2 =	vld.idx.msk [tilespmem:v50+s11+$0x0], $0xffff  }
0x217: {  	v3 =	vor.u32 $0x5, v1;
	_ =	sdelay $0x3  }
0x218: {  	[tilespmem:v50+s15+$0x0] =	vst.idx.msk $0xffff, v2  }
0x219: {  	v2 =	vld.idx.msk [tilespmem:v3+s11+$0x0], $0xffff  }
0x21a: {  	v51 =	vor.u32 $0x6, v1;
	_ =	sdelay $0x3  }
0x21b: {  	[tilespmem:v3+s15+$0x0] =	vst.idx.msk $0xffff, v2  }
0x21c: {  	v2 =	vld.idx.msk [tilespmem:v51+s11+$0x0], $0xffff  }
0x21d: {  	v3 =	vor.u32 $0x7, v1;
	_ =	sdelay $0x3  }
0x21e: {  	[tilespmem:v51+s15+$0x0] =	vst.idx.msk $0xffff, v2  }
0x21f: {  	v2 =	vld.idx.msk [tilespmem:v3+s11+$0x0], $0xffff  }
0x220: {  	v52 =	vor.u32 $0x8, v1;
	_ =	sdelay $0x3  }
0x221: {  	[tilespmem:v3+s15+$0x0] =	vst.idx.msk $0xffff, v2  }
0x222: {  	v2 =	vld.idx.msk [tilespmem:v52+s11+$0x0], $0xffff  }
0x223: {  	v3 =	vor.u32 $0x9, v1;
	_ =	sdelay $0x3  }
0x224: {  	[tilespmem:v52+s15+$0x0] =	vst.idx.msk $0xffff, v2  }
0x225: {  	v2 =	vld.idx.msk [tilespmem:v3+s11+$0x0], $0xffff  }
0x226: {  	v53 =	vor.u32 $0xA, v1;
	_ =	sdelay $0x3  }
0x227: {  	[tilespmem:v3+s15+$0x0] =	vst.idx.msk $0xffff, v2  }
0x228: {  	v2 =	vld.idx.msk [tilespmem:v53+s11+$0x0], $0xffff  }
0x229: {  	v3 =	vor.u32 $0xB, v1;
	_ =	sdelay $0x3  }
0x22a: {  	[tilespmem:v53+s15+$0x0] =	vst.idx.msk $0xffff, v2  }
0x22b: {  	v2 =	vld.idx.msk [tilespmem:v3+s11+$0x0], $0xffff  }
0x22c: {  	v54 =	vor.u32 $0xC, v1;
	_ =	sdelay $0x3  }
0x22d: {  	[tilespmem:v3+s15+$0x0] =	vst.idx.msk $0xffff, v2  }
0x22e: {  	v2 =	vld.idx.msk [tilespmem:v54+s11+$0x0], $0xffff  }
0x22f: {  	v3 =	vor.u32 $0xD, v1;
	_ =	sdelay $0x3  }
0x230: {  	[tilespmem:v54+s15+$0x0] =	vst.idx.msk $0xffff, v2  }
0x231: {  	v2 =	vld.idx.msk [tilespmem:v3+s11+$0x0], $0xffff  }
0x232: {  	v55 =	vor.u32 $0xE, v1;
	_ =	sdelay $0x3  }
0x233: {  	[tilespmem:v3+s15+$0x0] =	vst.idx.msk $0xffff, v2  }
0x234: {  	v2 =	vld.idx.msk [tilespmem:v55+s11+$0x0], $0xffff  }
0x235: {  	v3 =	vor.u32 $0xF, v1;
	_ =	sdelay $0x3  }
0x236: {  	[tilespmem:v55+s15+$0x0] =	vst.idx.msk $0xffff, v2  }
0x237: {  	v2 =	vld.idx.msk [tilespmem:v3+s11+$0x0], $0xffff  }
0x238: {  	v56 =	vor.u32 $0x10, v1;
	_ =	sdelay $0x3  }
0x239: {  	[tilespmem:v3+s15+$0x0] =	vst.idx.msk $0xffff, v2  }
0x23a: {  	v2 =	vld.idx.msk [tilespmem:v56+s11+$0x0], $0xffff  }
0x23b: {  	v3 =	vor.u32 $0x11, v1;
	_ =	sdelay $0x3  }
0x23c: {  	[tilespmem:v56+s15+$0x0] =	vst.idx.msk $0xffff, v2  }
0x23d: {  	v2 =	vld.idx.msk [tilespmem:v3+s11+$0x0], $0xffff  }
0x23e: {  	v57 =	vor.u32 $0x12, v1;
	_ =	sdelay $0x3  }
0x23f: {  	[tilespmem:v3+s15+$0x0] =	vst.idx.msk $0xffff, v2  }
0x240: {  	v2 =	vld.idx.msk [tilespmem:v57+s11+$0x0], $0xffff  }
0x241: {  	v3 =	vor.u32 $0x13, v1;
	_ =	sdelay $0x3  }
0x242: {  	[tilespmem:v57+s15+$0x0] =	vst.idx.msk $0xffff, v2  }
0x243: {  	v2 =	vld.idx.msk [tilespmem:v3+s11+$0x0], $0xffff  }
0x244: {  	v58 =	vor.u32 $0x14, v1;
	_ =	sdelay $0x3  }
0x245: {  	[tilespmem:v3+s15+$0x0] =	vst.idx.msk $0xffff, v2  }
0x246: {  	v2 =	vld.idx.msk [tilespmem:v58+s11+$0x0], $0xffff  }
0x247: {  	v3 =	vor.u32 $0x15, v1;
	_ =	sdelay $0x3  }
0x248: {  	[tilespmem:v58+s15+$0x0] =	vst.idx.msk $0xffff, v2  }
0x249: {  	v2 =	vld.idx.msk [tilespmem:v3+s11+$0x0], $0xffff  }
0x24a: {  	v59 =	vor.u32 $0x16, v1;
	_ =	sdelay $0x3  }
0x24b: {  	[tilespmem:v3+s15+$0x0] =	vst.idx.msk $0xffff, v2  }
0x24c: {  	v2 =	vld.idx.msk [tilespmem:v59+s11+$0x0], $0xffff  }
0x24d: {  	v3 =	vor.u32 $0x17, v1;
	_ =	sdelay $0x3  }
0x24e: {  	[tilespmem:v59+s15+$0x0] =	vst.idx.msk $0xffff, v2  }
0x24f: {  	v2 =	vld.idx.msk [tilespmem:v3+s11+$0x0], $0xffff  }
0x250: {  	v60 =	vor.u32 $0x18, v1;
	_ =	sdelay $0x3  }
0x251: {  	[tilespmem:v3+s15+$0x0] =	vst.idx.msk $0xffff, v2  }
0x252: {  	v2 =	vld.idx.msk [tilespmem:v60+s11+$0x0], $0xffff  }
0x253: {  	v3 =	vor.u32 $0x19, v1;
	_ =	sdelay $0x3  }
0x254: {  	[tilespmem:v60+s15+$0x0] =	vst.idx.msk $0xffff, v2  }
0x255: {  	v2 =	vld.idx.msk [tilespmem:v3+s11+$0x0], $0xffff  }
0x256: {  	v61 =	vor.u32 $0x1A, v1;
	_ =	sdelay $0x3  }
0x257: {  	[tilespmem:v3+s15+$0x0] =	vst.idx.msk $0xffff, v2  }
0x258: {  	v2 =	vld.idx.msk [tilespmem:v61+s11+$0x0], $0xffff  }
0x259: {  	v3 =	vor.u32 $0x1B, v1;
	_ =	sdelay $0x3  }
0x25a: {  	[tilespmem:v61+s15+$0x0] =	vst.idx.msk $0xffff, v2  }
0x25b: {  	v2 =	vld.idx.msk [tilespmem:v3+s11+$0x0], $0xffff  }
0x25c: {  	v62 =	vor.u32 $0x1C, v1;
	_ =	sdelay $0x3  }
0x25d: {  	[tilespmem:v3+s15+$0x0] =	vst.idx.msk $0xffff, v2  }
0x25e: {  	v2 =	vld.idx.msk [tilespmem:v62+s11+$0x0], $0xffff  }
0x25f: {  	v3 =	vor.u32 $0x1D, v1;
	_ =	sdelay $0x3  }
0x260: {  	[tilespmem:v62+s15+$0x0] =	vst.idx.msk $0xffff, v2  }
0x261: {  	v2 =	vld.idx.msk [tilespmem:v3+s11+$0x0], $0xffff  }
0x262: {  	v63 =	vor.u32 $0x1E, v1;
	_ =	sdelay $0x3  }
0x263: {  	[tilespmem:v3+s15+$0x0] =	vst.idx.msk $0xffff, v2  }
0x264: {  	v2 =	vld.idx.msk [tilespmem:v63+s11+$0x0], $0xffff  }
0x265: {  	v1 =	vor.u32 $0x1F, v1;
	_ =	sdelay $0x3  }
0x266: {  	[tilespmem:v63+s15+$0x0] =	vst.idx.msk $0xffff, v2  }
0x267: {  	v2 =	vld.idx.msk [tilespmem:v1+s11+$0x0], $0xffff;
	_ =	sdelay $0x1  }
0x268: {  	s18 =	sshll.u32 s18, $0xE  }
0x269: {  	s17 =	sadd.s32 $0x1, s17;
	s18 =	sadd.s32 s6, s18  }
0x26a: {  	p0 =	sne.s32 s17, $0x34;
	s18 =	sshrl.u32 s18, $0x3  }
.Ltmp2:
0x26b: {  	s18 =	sadd.s32 s4, s18;
	[tilespmem:v1+s15+$0x0] =	vst.idx.msk $0xffff, v2;
	(pc) =	sbr.rel @p0 .LBB2_2-.Ltmp2, $4  }
0x26c: {  	[hbm4b:s18+s2] =	stream.linear.scatter [tilespmem:s15], [sflag:$0x3], $0x4000, $0x38;
	[tilespmem:$0x13400] =	vst v63  }
0x26d: {  	_ =	swait.ge [sflag:s8], $0x4000  }
0x26e: {  	[sflag:s8] =	ssyncset.done $0x0  }
0x26f: {  	[sflag:s8] =	ssyncadd.s32 $0xFFFFC000  }
0x270: {  	s16 =	sadd.s32 $0x1, s16  }
0x271: {  	p0 =	sne.s32 s16, s7  }
.Ltmp3:
0x272: {  	_ = 	snop;
	(pc) =	sbr.rel @p0 .LBB2_1-.Ltmp3, $1  }
0x273: {  	_ =	sdelay $0x3  }
0x274: {  	_ =	sfence.sel $0x180000  }
0x275: {  	[bflag:$0x0] =	sbarrier.arrive $0xFFFF  }
0x276: {  	p0 =	sne.s32 s0, $0x0;
	_ =	strace $0x9000004A  }
0x277: {  	s0 =	sadd.s32 @!p0 $0x100000, s1;
	[bflag:$0x2] =	sbarrier.arrive $0xFFFF  }
0x278: {  	[sflag:s0] =	ssyncadd.tile.s32 @!p0 $0x1;
	_ =	shalt  }
.Lfunc_end2:
_tile_overlayer_lowered:
.L_overlay_start_2:
0x279: {  	(tag) =	ssettag $0x2  }
0x27a: {  	s0 =	rddreg [dreg:$0x0];
	s2 =	stileid.u32  }
0x27b: {  	s1 =	rddreg [dreg:$0x1];
	p0 =	sne.s32 s2, $0x0  }
0x27c: {  	s3 =	rddreg [dreg:$0x2];
	[bflag:$0x3] =	sbarrier.arrive $0xFFFF;
	s2 =	simm.s32 @!p0 $0x1C03  }
0x27d: {  	[timem:s3], [sflag:s2] =	dma.local @!p0 [hbm:s0], s1  }
0x27e: {  	s0 =	simm.s32 @!p0 $0x3  }
0x27f: {  	_ =	swait.ge @!p0 [sflag:s0], s1  }
0x280: {  	s1 =	ssub.s32 @!p0 $0x0, s1;
	[sflag:s0] =	ssyncset.done @!p0 $0x0  }
0x281: {  	[sflag:s0] =	ssyncadd.s32 @!p0 s1  }
0x282: {  	[bflag:$0x3] =	sbarrier.arrive $0xFFFF  }
0x283: {  	_ =	shalt  }

// kernel: sparse-core-data-format-call.cloned.1.call-start
scs
called_computation_lowered:
.L_overlay_start_0:
0x0: {  	s2 =	sld [smem:$0x3FD9]  }
0x1: {  	s3 =	sld [smem:$0x3FFE];
	_ =	sdelay $0x1  }
0x2: {  	s1 =	srdreg.scid  }
0x3: {  	s0 =	sand.u32 $0x1, s1  }
0x4: {  	s18 =	sshll.u32 s0, $0xA;
	s2 =	sadd.s32 s3, s2  }
0x5: {  	s2 =	sadd.s32 s2, s18  }
0x6: {  	[smem:$0x3FBD] =	sst s2  }
0x7: {  	_ = 	snop  }
0x8: {  	s2 =	sld [smem:$0x3FC7];
	(tm) =	ssettm $0x1  }
0x9: {  	s19 =	sld [smem:$0x3FFB];
	_ =	sdelay $0x3  }
0xa: {  	_ =	strace s19  }
0xb: {  	s3 =	sld [smem:$0x3FFC];
	_ =	sdelay $0x3  }
0xc: {  	_ =	strace s3  }
0xd: {  	s3 =	sld [smem:$0x3FFD];
	_ =	sdelay $0x3  }
0xe: {  	_ =	strace s3  }
0xf: {  	_ =	strace $0x8FFFFFFF  }
0x10: {  	s20 =	sld [smem:$0x3FDB];
	_ =	sdelay $0x1  }
0x11: {  	s4 =	simm.s32 $_scs_section_size  }
0x12: {  	s5 =	simm.s32 $_size__tile_overlayer_lowered;
	s6 =	simm.s32 $_tile_overlayer_lowered  }
0x13: {  	s23 =	simm.s32 $0x1BFF;
	s22 =	sshll.u32 s6, $0x1;
	s3 =	sadd.s32 s4, s20  }
0x14: {  	s7 =	simm.s32 $0x0;
	s21 =	sshll.u32 s5, $0x1;
	s5 =	sadd.s32 s22, s3  }
0x15: {  	[timem:s7], [sflag:s23] =	dma.local [hbm:s5], s21  }
0x16: {  	_ =	swait.ge [sflag:s23], s21  }
0x17: {  	s4 =	ssub.s32 $0x0, s21;
	[sflag:s23] =	ssyncset.done $0x0  }
0x18: {  	[sflag:s23] =	ssyncadd.s32 s4;
	_ =	sdelay $0x1  }
0x19: {  	s24 =	simm.s32 $0x1B8B  }
0x1a: {  	_ =	swait.ge [sflag:s24], $0x1  }
0x1b: {  	[sflag:s24] =	ssyncset.done $0x0  }
0x1c: {  	s26 =	simm.s32 $0x1B8E;
	s25 =	sld [smem:$0x3FFE];
	[sflag:s24] =	ssyncadd.s32 $0xFFFFFFFF  }
0x1d: {  	s27 =	simm.s32 $execute0_lowered;
	[smem:$0x3FD2] =	sst s26  }
0x1e: {  	s5 =	sshll.u32 s27, $0x1;
	_ =	strace $0x80000046;
	[dreg:$0x1] =	wrdreg $0xFFFFFFFF  }
0x1f: {  	s28 =	simm.s32 $_size_execute0_lowered;
	s3 =	sadd.s32 s3, s5;
	[dreg:$0x0] =	wrdreg $0x0  }
0x20: {  	s5 =	sshll.u32 s28, $0x1;
	[dreg:$0x2] =	wrdreg s3  }
0x21: {  	[dreg:$0x3] =	wrdreg s5  }
0x22: {  	[dreg:$0x4] =	wrdreg $0xC0  }
0x23: {  	_ =	task [dreg:s7], $0x5FFFF  }
0x24: {  	[dreg:$0x1] =	wrdreg $0xFFFFFFFF  }
0x25: {  	[dreg:$0x0] =	wrdreg $0x60  }
0x26: {  	[dreg:$0x2] =	wrdreg s2  }
0x27: {  	[dreg:$0x3] =	wrdreg s25  }
0x28: {  	[dreg:$0x4] =	wrdreg $0x9  }
0x29: {  	_ =	task.clear_ibuf [dreg:s7], $0x5FFFF;
	_ =	strace $0x90000046  }
0x2a: {  	s29 =	simm.s32 $0x9;
	_ =	strace $0x80000048  }
0x2b: {  	_ =	swait.ge [sflag:s29], $0x1  }
0x2c: {  	[sflag:s29] =	ssyncadd.s32 $0xFFFFFFFF  }
0x2d: {  	_ =	strace $0x90000048  }
0x2e: {  	_ =	sfence  }
0x2f: {  	s30 =	sld [smem:$0x0];
	_ =	sdelay $0x2  }
0x30: {  	s31 =	sshll.u32 s1, $0xD;
	s1 =	sshrl.u32 s1, $0x2  }
0x31: {  	s3 =	sand.u32 $0x4000, s31;
	s1 =	sadd.s32 s1, s30  }
0x32: {  	s0 =	sor.u32 s3, s0;
	s1 =	sshll.u32 s1, $0x11  }
0x33: {  	s0 =	sor.u32 s1, s0  }
0x34: {  	s0 =	sadd.s32 $0x8F2B, s0  }
0x35: {  	[sflag:s0] =	ssyncadd.remote.s32 $0x1  }
0x36: {  	_ =	sfence.sel $0xFFFF  }
0x37: {  	[dreg:$0x0] =	wrdreg $0xFFFFFFFF;
	(pc) =	sbr.abs _section_cstart, $3  }
0x38: {  	[dreg:$0x1] =	wrdreg $0xFFFFFFFF  }
0x39: {  	_ =	task.clear_ibuf [dreg:s7], $0x2FFFF;
	_ =	strace $0x9FFFFFFF  }
0x3a: {  	(tm) =	ssettm $0x7FFFFFFF  }
0x3b: {  	_ =	shalt  }
tec
execute0_lowered:
.L_overlay_start_1:
0x0: {  	(tag) =	ssettag $0x1  }
0x1: {  	s2 =	rddreg [dreg:$0x0]  }
0x2: {  	s0 =	srdreg.scid;
	s5 =	rddreg [dreg:$0x1]  }
0x3: {  	s31 =	simm.s32 $0x2;
	s16 =	simm.s32 $0x0;
	p0 =	por $0x0, $0x0  }
0x4: {  	s8 =	simm.s32 $0x80;
	s17 =	simm.s32 $0x0;
	s1 =	sshll.u32 s0, $0x4  }
0x5: {  	s18 =	simm.s32 $0x0;
	s0 =	stileid.u32;
	s1 =	sand.u32 $0x10, s1  }
0x6: {  	s9 =	simm.s32 $0x0;
	s10 =	simm.s32 $0x0;
	s1 =	sor.u32 s0, s1  }
0x7: {  	s11 =	simm.s32 $0x0;
	s13 =	simm.s32 $0x0;
	s3 =	sshll.u32 s1, $0x8  }
.Ltmp0:
0x8: {  	s14 =	simm.s32 $0x0;
	s4 =	ssub.s32 $0x18600, s3;
	(pc) =	sbr.rel .LBB1_1-.Ltmp0, $4  }
0x9: {  	s15 =	simm.s32 $0x0;
	s1 =	rddreg [dreg:$0x2];
	s6 =	sshrl.u32 s4, $0xD  }
0xa: {  	_ =	strace $0x80000047;
	s4 =	simm.s32 $0x1;
	s7 =	smul.u32 $0x1A, s6  }
0xb: {  	s5 =	sadd.s32 $0x1C00, s5;
	s12 =	smov.u32 s3;
	[sflag:s4] =	ssyncpa.u1 $0x0  }
0xc: {  	[sflag:s31] =	ssyncpa.u1 $0x0;
	s6 =	sadd.s32 $0x1A, s7;
	s7 =	sadd.s32 $0x1B, s7  }
.LBB1_5:
0xd: {  	p1 =	slt.u32 s15, $0x2  }
0xe: {  	s19 =	smov.u32 s18;
	p2 =	sgt.s32 @!p1 s18, $0x19  }
0xf: {  	s20 =	sshra.s32 @!p1 s18, $0x1F;
	p3 =	sgt.s32 @!p1 s16, $0x185A8;
	p4 =	sgt.s32 @!p1 s17, $0x60  }
0x10: {  	s21 =	sshra.s32 @!p1 s17, $0x1F;
	p2 =	por !p2, p1;
	s18 =	sand.u32 @!p1 s20, s18  }
0x11: {  	p4 =	por !p4, p1;
	s20 =	smov.u32 s17;
	s19 =	simm.s32 @p2 $0x19  }
0x12: {  	s17 =	sand.u32 @!p1 s21, s17;
	s20 =	simm.s32 @p4 $0x60;
	s18 =	ssub.s32 @!p1 s19, s18  }
0x13: {  	p3 =	por !p3, p1;
	s17 =	ssub.s32 @!p1 s20, s17;
	s19 =	sadd.s32 @!p1 $0xFFFFFFE7, s18  }
0x14: {  	s20 =	sshra.s32 @!p1 s16, $0x1F;
	s18 =	ssub.s32 @!p1 $0x1A, s18;
	p2 =	sgt.s32 @!p1 s19, $0x0  }
0x15: {  	s19 =	smov.u32 s16;
	s16 =	sand.u32 @!p1 s20, s16;
	s20 =	sadd.s32 @!p1 $0xFFFFFFA0, s17  }
0x16: {  	s17 =	ssub.s32 @!p1 $0x80, s17;
	s19 =	simm.s32 @p3 $0x185A8;
	p2 =	por !p2, p1  }
0x17: {  	s18 =	simm.s32 @!p2 $0x0;
	s16 =	ssub.s32 @!p1 s19, s16;
	p2 =	sgt.s32 @!p1 s20, $0x1F  }
0x18: {  	s20 =	smov.u32 s13;
	s19 =	sadd.s32 @!p1 $0xFFFE7A58, s16;
	p2 =	por !p2, p1  }
0x19: {  	s16 =	ssub.s32 @!p1 $0x186A8, s16;
	s17 =	simm.s32 @!p2 $0x0;
	p2 =	sgt.s32 @!p1 s19, $0xFF  }
0x1a: {  	s19 =	sadd.s32 $0x2000, s12;
	p2 =	por !p2, p1;
	s17 =	smul.u32 @!p1 s18, s17  }
0x1b: {  	s18 =	sadd.s32 $0x20, s13;
	s16 =	simm.s32 @!p2 $0x0;
	p2 =	sgt.s32 s19, $0x186A0  }
0x1c: {  	s16 =	smul.u32 @!p1 s16, s17;
	s20 =	smov.u32 @p2 s18  }
0x1d: {  	s19 =	smov.u32 @p2 s3;
	s17 =	simm.s32 $0x1;
	p2 =	sgt.s32 s20, $0x1F  }
0x1e: {  	s17 =	simm.s32 @!p2 $0x0  }
0x1f: {  	p0 =	por !p0, !p0;
	s23 =	sadd.s32 s17, s14  }
0x20: {  	s21 =	simm.s32 @!p1 $0x2;
	s20 =	simm.s32 @p2 $0x0;
	p2 =	sgt.s32 s23, $0x19  }
0x21: {  	s18 =	smov.u32 s11;
	s23 =	simm.s32 @p2 $0x0;
	p2 =	sne.s32 s15, s7  }
.Ltmp1:
0x22: {  	s11 =	smov.u32 s14;
	s16 =	sand.u32 @!p1 $0x3FFFFFFF, s16;
	(pc) =	sbr.rel @!p2 .LBB1_6-.Ltmp1, $4  }
0x23: {  	_ =	swait.ge @!p1 [sflag:s21], s16;
	s22 =	ssub.s32 @!p1 $0x0, s16;
	s16 =	smov.u32 s9  }
0x24: {  	s17 =	smov.u32 s10;
	s9 =	smov.u32 s12;
	s10 =	smov.u32 s13  }
0x25: {  	s12 =	smov.u32 s19;
	s13 =	smov.u32 s20;
	[sflag:s21] =	ssyncset.done @!p1 $0x0  }
0x26: {  	s15 =	sadd.s32 $0x1, s15;
	[sflag:s21] =	ssyncadd.s32 @!p1 s22;
	s14 =	smov.u32 s23  }
.LBB1_1:
0x27: {  	p1 =	sge.u32 s15, s6  }
0x28: {  	s19 =	sshrl.u32 @!p1 s13, $0x3  }
0x29: {  	s20 =	sshll.u32 @!p1 s12, $0x3;
	s19 =	smul.u32 @!p1 $0xC3800, s19  }
0x2a: {  	s21 =	sshll.u32 @!p1 s13, $0x7;
	s20 =	sand.u32 @!p1 $0xFFFFFC00, s20  }
0x2b: {  	s19 =	sadd.s32 @!p1 s19, s20;
	s20 =	sand.u32 @!p1 $0x380, s21  }
0x2c: {  	s21 =	sand.u32 @!p1 $0x7F, s12;
	s19 =	sor.u32 @!p1 s20, s19  }
0x2d: {  	s20 =	sor.u32 @!p1 s21, s19  }
0x2e: {  	s21 =	smulhi.u32 @!p1 $0xA79C7B17, s20  }
0x2f: {  	s19 =	smulhi.u32 @!p1 $0xA79C7B17, s19  }
0x30: {  	s21 =	sshrl.u32 @!p1 s21, $0x10  }
0x31: {  	s19 =	sshrl.u32 @!p1 s19, $0x10;
	s21 =	smul.u32 @!p1 $0x18700, s21  }
0x32: {  	s22 =	sxor.u32 @!p1 $0xFFFFFFFF, s15;
	s23 =	smul.u32 @!p1 $0x61C00, s14;
	s19 =	sand.u32 @!p1 $0x1F, s19  }
0x33: {  	s22 =	sshll.u32 @!p1 s22, $0xD;
	s19 =	smul.u32 @!p1 $0x30E0, s19;
	s20 =	ssub.s32 @!p1 s20, s21  }
0x34: {  	s21 =	sand.u32 @!p1 $0x2000, s22;
	s22 =	sadd.s32 @!p1 s2, s23;
	s23 =	sand.u32 @!p1 $0x7, s20  }
0x35: {  	s20 =	sshrl.u32 @!p1 s20, $0x3;
	s19 =	sadd.s32 @!p1 s19, s22;
	s22 =	sshll.u32 @!p1 s23, $0x12  }
0x36: {  	s19 =	sadd.s32 @!p1 s20, s19;
	s20 =	sor.u32 @!p1 $0x800, s22;
	s22 =	simm.s32 @!p1 $0xC3800  }
0x37: {  	[tilespmem:s21], [sflag:$0x1] =	stream.strided.gather @!p1 [hbm4b:s19+s20], $0x2000, s22, s20, $0x38;
	[tilespmem:$0x8200] =	vst v63  }
0x38: {  	p1 =	seq.s32 s15, $0x0  }
0x39: {  	p2 =	sge.u32 @!p1 s15, s7  }
0x3a: {  	p1 =	por p1, p2  }
.Ltmp2:
0x3b: {  	_ = 	snop;
	(pc) =	sbr.rel @p1 .LBB1_5-.Ltmp2, $1  }
0x3c: {  	_ =	sdelay $0x3  }
0x3d: {  	s21 =	simm.s32 $0x0  }
0x3e: {  	s22 =	sand.u32 $0x1800, s21;
	s23 =	sand.u32 $0x380, s21  }
0x3f: {  	s19 =	sand.u32 $0x1, s15;
	s23 =	sor.u32 s23, s22  }
0x40: {  	_ =	swait.ge [sflag:s4], $0x2000;
	s20 =	sshll.u32 s19, $0xD;
	s22 =	sand.u32 $0x1B00, s23  }
0x41: {  	[sflag:s4] =	ssyncset.done $0x0;
	s21 =	sand.u32 $0x80, s21;
	s22 =	sadd.s32 s22, s20  }
0x42: {  	[sflag:s4] =	ssyncadd.s32 $0xFFFFE000;
	s25 =	sadd.s32 s21, s22  }
0x43: {  	v4 =	vld [tilespmem:s25+$0x400]  }
0x44: {  	s24 =	simm.s32 $0x1;
	v5 =	vld [tilespmem:s25+$0x0]  }
0x45: {  	s24 =	simm.s32 @!p0 $0x0;
	v6 =	vld [tilespmem:s25+$0x10]  }
0x46: {  	v0 =	vmov s20;
	s31 =	smul.u32 $0x8400, s24;
	v7 =	vld [tilespmem:s25+$0x20]  }
0x47: {  	v9 =	vld [tilespmem:s25+$0x30]  }
0x48: {  	s21 =	sshrl.u32 s31, $0x2;
	v10 =	vld [tilespmem:s25+$0x40]  }
0x49: {  	s21 =	sor.u32 $0x4000, s21;
	v11 =	vld [tilespmem:s25+$0x50]  }
0x4a: {  	v8 =	vld [tilespmem:s25+$0x60];
	s22 =	sadd.s32 $0x0, s21  }
0x4b: {  	v1 =	vld.idx.msk [tilespmem:v0+s23+$0x410 ss:$0x1], $0xffff;
	[tilespmem:s22+$0x1080 ss:$0x21] =	vst.msk $0xffff, v4  }
0x4c: {  	v2 =	vld.idx.msk [tilespmem:v0+s23+$0x420 ss:$0x1], $0xffff;
	[tilespmem:s22+$0x0 ss:$0x21] =	vst.msk $0xffff, v5  }
0x4d: {  	v3 =	vld.idx.msk [tilespmem:v0+s23+$0x430 ss:$0x1], $0xffff;
	[tilespmem:s22+$0x210 ss:$0x21] =	vst.msk $0xffff, v6  }
0x4e: {  	s19 =	smul.u32 $0x8400, s19;
	[tilespmem:s22+$0x420 ss:$0x21] =	vst.msk $0xffff, v7;
	v7 =	vld [tilespmem:s25+$0x70]  }
0x4f: {  	s26 =	simm.s32 $0x80;
	s27 =	simm.s32 $0x8;
	[tilespmem:s22+$0x630 ss:$0x21] =	vst.msk $0xffff, v9;
	v4 =	vld.idx.msk [tilespmem:v0+s23+$0x440 ss:$0x1], $0xffff  }
0x50: {  	s29 =	sand.u32 $0x380, s26;
	s19 =	sshrl.u32 s19, $0x2;
	[tilespmem:s22+$0x840 ss:$0x21] =	vst.msk $0xffff, v10;
	v5 =	vld.idx.msk [tilespmem:v0+s23+$0x450 ss:$0x1], $0xffff;
	s25 =	simm.s32 $0x100  }
0x51: {  	s24 =	simm.s32 $0x4;
	s19 =	sor.u32 $0x4000, s19;
	[tilespmem:s22+$0xA50 ss:$0x21] =	vst.msk $0xffff, v11;
	v6 =	vld.idx.msk [tilespmem:v0+s23+$0x460 ss:$0x1], $0xffff;
	s28 =	sand.u32 $0x1800, s25  }
.LBB1_3:
0x52: {  	p1 =	sne.s32 s27, $0x7C;
	[tilespmem:s22+$0xC60 ss:$0x21] =	vst.msk $0xffff, v8;
	v8 =	vld.idx.msk [tilespmem:v0+s23+$0x470 ss:$0x1], $0xffff;
	s23 =	sor.u32 s29, s28  }
0x53: {  	s28 =	sand.u32 $0x1B00, s23;
	v9 =	vld.idx.msk [tilespmem:v0+s23+$0x410 ss:$0x1], $0xffff;
	[tilespmem:s22+$0xE70 ss:$0x21] =	vst.msk $0xffff, v7  }
0x54: {  	s29 =	sand.u32 $0x80, s26;
	s28 =	sadd.s32 s28, s20;
	v7 =	vld.idx.msk [tilespmem:v0+s23+$0x420 ss:$0x1], $0xffff;
	[tilespmem:s22+$0x1290 ss:$0x21] =	vst.msk $0xffff, v1  }
0x55: {  	s28 =	sadd.s32 s29, s28;
	v10 =	vld.idx.msk [tilespmem:v0+s23+$0x430 ss:$0x1], $0xffff;
	[tilespmem:s22+$0x14A0 ss:$0x21] =	vst.msk $0xffff, v2  }
0x56: {  	v11 =	vld [tilespmem:s28+$0x400];
	[tilespmem:s22+$0x16B0 ss:$0x21] =	vst.msk $0xffff, v3  }
0x57: {  	v12 =	vld [tilespmem:s28+$0x0];
	[tilespmem:s22+$0x18C0 ss:$0x21] =	vst.msk $0xffff, v4  }
0x58: {  	v4 =	vld [tilespmem:s28+$0x10];
	[tilespmem:s22+$0x1AD0 ss:$0x21] =	vst.msk $0xffff, v5  }
0x59: {  	s29 =	sshra.s32 s24, $0x2;
	s24 =	smov.u32 s27;
	v1 =	vmov v9;
	v5 =	vld [tilespmem:s28+$0x20];
	[tilespmem:s22+$0x1CE0 ss:$0x21] =	vst.msk $0xffff, v6  }
0x5a: {  	v2 =	vmov v7;
	v6 =	vld [tilespmem:s28+$0x30];
	[tilespmem:s22+$0x1EF0 ss:$0x21] =	vst.msk $0xffff, v8;
	s22 =	sadd.s32 s29, s21  }
0x5b: {  	v3 =	vmov v10;
	v9 =	vld [tilespmem:s28+$0x40];
	[tilespmem:s22+$0x1080 ss:$0x21] =	vst.msk $0xffff, v11  }
0x5c: {  	[tilespmem:s22+$0x0 ss:$0x21] =	vst.msk $0xffff, v12;
	v10 =	vld [tilespmem:s28+$0x50]  }
.Ltmp3:
0x5d: {  	[tilespmem:s22+$0x210 ss:$0x21] =	vst.msk $0xffff, v4;
	v8 =	vld [tilespmem:s28+$0x60];
	(pc) =	sbr.rel @p1 .LBB1_3-.Ltmp3, $4  }
0x5e: {  	[tilespmem:s22+$0x420 ss:$0x21] =	vst.msk $0xffff, v5;
	v7 =	vld [tilespmem:s28+$0x70]  }
0x5f: {  	[tilespmem:s22+$0x630 ss:$0x21] =	vst.msk $0xffff, v6;
	v4 =	vld.idx.msk [tilespmem:v0+s23+$0x440 ss:$0x1], $0xffff  }
0x60: {  	s26 =	sadd.s32 $0x80, s26;
	s25 =	sadd.s32 $0x100, s25;
	[tilespmem:s22+$0x840 ss:$0x21] =	vst.msk $0xffff, v9;
	v5 =	vld.idx.msk [tilespmem:v0+s23+$0x450 ss:$0x1], $0xffff  }
0x61: {  	s27 =	sadd.s32 $0x4, s27;
	s29 =	sand.u32 $0x380, s26;
	s28 =	sand.u32 $0x1800, s25;
	[tilespmem:s22+$0xA50 ss:$0x21] =	vst.msk $0xffff, v10;
	v6 =	vld.idx.msk [tilespmem:v0+s23+$0x460 ss:$0x1], $0xffff  }
0x62: {  	_ =	sdelay $0x3  }
0x63: {  	s25 =	sor.u32 s29, s28;
	v47 =	vld.idx.msk [tilespmem:v0+s23+$0x470 ss:$0x1], $0xffff  }
0x64: {  	[tilespmem:s22+$0xC60 ss:$0x21] =	vst.msk $0xffff, v8;
	v57 =	vld.idx.msk [tilespmem:v0+s25+$0x410 ss:$0x1], $0xffff  }
0x65: {  	[tilespmem:s22+$0x1290 ss:$0x21] =	vst.msk $0xffff, v1;
	v58 =	vld.idx.msk [tilespmem:v0+s25+$0x420 ss:$0x1], $0xffff  }
0x66: {  	[tilespmem:s22+$0x14A0 ss:$0x21] =	vst.msk $0xffff, v2;
	v59 =	vld.idx.msk [tilespmem:v0+s25+$0x430 ss:$0x1], $0xffff  }
0x67: {  	[tilespmem:s22+$0x16B0 ss:$0x21] =	vst.msk $0xffff, v3;
	v60 =	vld.idx.msk [tilespmem:v0+s25+$0x440 ss:$0x1], $0xffff  }
0x68: {  	s26 =	sand.u32 $0x80, s26;
	s27 =	sand.u32 $0x1B00, s25;
	[tilespmem:s22+$0xE70 ss:$0x21] =	vst.msk $0xffff, v7;
	v61 =	vld.idx.msk [tilespmem:v0+s25+$0x450 ss:$0x1], $0xffff  }
0x69: {  	s29 =	sshll.u32 s10, $0x3;
	s24 =	sshra.s32 s24, $0x2;
	v62 =	vld.idx.msk [tilespmem:v0+s25+$0x460 ss:$0x1], $0xffff;
	s20 =	sadd.s32 s27, s20;
	[tilespmem:s22+$0x18C0 ss:$0x21] =	vst.msk $0xffff, v4  }
0x6a: {  	p1 =	sgt.s32 s11, $0x19;
	s31 =	sand.u32 $0xFFFFFC00, s29;
	v63 =	vld.idx.msk [tilespmem:v0+s25+$0x470 ss:$0x1], $0xffff;
	s23 =	sadd.s32 s26, s20;
	[tilespmem:s22+$0x1AD0 ss:$0x21] =	vst.msk $0xffff, v5  }
0x6b: {  	p2 =	sgt.s32 s10, $0x60;
	s29 =	sshra.s32 s11, $0x1F;
	s25 =	smul.u32 $0x186A80, s11;
	v48 =	vld [tilespmem:s23+$0x400];
	[tilespmem:s22+$0x1CE0 ss:$0x21] =	vst.msk $0xffff, v6  }
0x6c: {  	s26 =	sshll.u32 s9, $0x7;
	s20 =	sadd.s32 s24, s21;
	s24 =	sand.u32 s29, s11;
	v49 =	vld [tilespmem:s23+$0x0];
	[tilespmem:s22+$0x1EF0 ss:$0x21] =	vst.msk $0xffff, v47  }
0x6d: {  	s29 =	sshra.s32 s9, $0x1F;
	v50 =	vld [tilespmem:s23+$0x10];
	s30 =	sand.u32 $0xFFFFFC00, s26;
	s28 =	sand.u32 $0x380, s26;
	[tilespmem:s20+$0x1290 ss:$0x21] =	vst.msk $0xffff, v57  }
0x6e: {  	v51 =	vld [tilespmem:s23+$0x20];
	s27 =	sadd.s32 s31, s30;
	s22 =	smov.u32 s11;
	s31 =	sshra.s32 s10, $0x1F;
	[tilespmem:s20+$0x14A0 ss:$0x21] =	vst.msk $0xffff, v58  }
0x6f: {  	v52 =	vld [tilespmem:s23+$0x30];
	s21 =	sor.u32 s28, s27;
	s22 =	simm.s32 @!p1 $0x19;
	s28 =	sand.u32 s31, s10;
	[tilespmem:s20+$0x16B0 ss:$0x21] =	vst.msk $0xffff, v59  }
0x70: {  	v53 =	vld [tilespmem:s23+$0x40];
	s27 =	smov.u32 s9;
	[tilespmem:s20+$0x18C0 ss:$0x21] =	vst.msk $0xffff, v60;
	s21 =	sshrl.u32 s21, $0x7;
	s22 =	ssub.s32 s22, s24  }
0x71: {  	v54 =	vld [tilespmem:s23+$0x50];
	[tilespmem:s20+$0x1AD0 ss:$0x21] =	vst.msk $0xffff, v61;
	s24 =	smov.u32 s10;
	s26 =	smulhi.u32 $0xA7C23D, s21;
	s30 =	sadd.s32 $0xFFFFFFE7, s22  }
0x72: {  	v55 =	vld [tilespmem:s23+$0x60];
	[tilespmem:s20+$0x1CE0 ss:$0x21] =	vst.msk $0xffff, v62;
	s24 =	simm.s32 @!p2 $0x60;
	p2 =	sgt.s32 s9, $0x185A8;
	s22 =	ssub.s32 $0x1A, s22  }
0x73: {  	v56 =	vld [tilespmem:s23+$0x70];
	[tilespmem:s20+$0x1EF0 ss:$0x21] =	vst.msk $0xffff, v63;
	p1 =	sgt.s32 s30, $0x0;
	s23 =	ssub.s32 s24, s28;
	s27 =	simm.s32 @!p2 $0x185A8  }
0x74: {  	[tilespmem:s20+$0x1080 ss:$0x21] =	vst.msk $0xffff, v48;
	s24 =	sand.u32 s29, s9;
	s28 =	sand.u32 $0x7, s10;
	s26 =	sshrl.u32 s26, $0x8  }
0x75: {  	[tilespmem:s20+$0x0 ss:$0x21] =	vst.msk $0xffff, v49;
	s24 =	ssub.s32 s27, s24;
	s30 =	sadd.s32 $0xFFFFFFA0, s23;
	s22 =	simm.s32 @p1 $0x0  }
0x76: {  	[tilespmem:s20+$0x210 ss:$0x21] =	vst.msk $0xffff, v50;
	s23 =	ssub.s32 $0x80, s23;
	s27 =	sshrl.u32 s10, $0x3;
	p1 =	sgt.s32 s30, $0x1F  }
0x77: {  	[tilespmem:s20+$0x420 ss:$0x21] =	vst.msk $0xffff, v51;
	s26 =	smul.u32 $0x186A8, s26;
	s31 =	sadd.s32 $0xFFFE7A58, s24;
	s23 =	simm.s32 @p1 $0x0  }
0x78: {  	[tilespmem:s20+$0x630 ss:$0x21] =	vst.msk $0xffff, v52;
	s24 =	ssub.s32 $0x186A8, s24;
	p1 =	sgt.s32 s31, $0xFF;
	s22 =	smul.u32 s22, s23  }
.Ltmp4:
0x79: {  	[tilespmem:s20+$0x840 ss:$0x21] =	vst.msk $0xffff, v53;
	s24 =	simm.s32 @p1 $0x0;
	s21 =	ssub.s32 s21, s26;
	(pc) =	sbr.rel .LBB1_5-.Ltmp4, $4  }
0x7a: {  	[tilespmem:s20+$0xA50 ss:$0x21] =	vst.msk $0xffff, v54;
	s23 =	sadd.s32 s5, s25;
	s22 =	smul.u32 s24, s22;
	s24 =	sand.u32 $0xF, s27  }
0x7b: {  	[tilespmem:s20+$0xC60 ss:$0x21] =	vst.msk $0xffff, v55;
	s29 =	sshll.u32 s28, $0x12;
	s21 =	sshll.u32 s21, $0x4;
	s23 =	sadd.s32 s24, s23  }
0x7c: {  	[tilespmem:s20+$0xE70 ss:$0x21] =	vst.msk $0xffff, v56;
	s31 =	sor.u32 $0x20, s29;
	s30 =	sand.u32 $0x3FFFFFFF, s22;
	s21 =	sadd.s32 s21, s23  }
0x7d: {  	[hbm4b:s21+s31] =	stream.strided.scatter [tilespmem:s19], [sflag:$0x2], s30, s8, s31, $0x10;
	[tilespmem:$0x8200] =	vst v63  }
.LBB1_6:
0x7e: {  	_ =	sfence.sel $0x180000  }
0x7f: {  	s2 =	simm.s32 $0x1;
	[bflag:$0x0] =	sbarrier.arrive $0xFFFF  }
0x80: {  	s31 =	simm.s32 $0x2;
	[sflag:s2] =	ssyncpa.u1 $0x1  }
0x81: {  	[sflag:s31] =	ssyncpa.u1 $0x1  }
0x82: {  	p0 =	sne.s32 s0, $0x0;
	_ =	strace $0x90000047  }
0x83: {  	s0 =	sadd.s32 @!p0 $0x100000, s1;
	[bflag:$0x2] =	sbarrier.arrive $0xFFFF  }
0x84: {  	[sflag:s0] =	ssyncadd.tile.s32 @!p0 $0x1;
	_ =	shalt  }
.Lfunc_end1:
_tile_overlayer_lowered:
.L_overlay_start_2:
0x85: {  	(tag) =	ssettag $0x2  }
0x86: {  	s0 =	rddreg [dreg:$0x0];
	s2 =	stileid.u32  }
0x87: {  	s1 =	rddreg [dreg:$0x1];
	p0 =	sne.s32 s2, $0x0  }
0x88: {  	s3 =	rddreg [dreg:$0x2];
	[bflag:$0x3] =	sbarrier.arrive $0xFFFF;
	s2 =	simm.s32 @!p0 $0x1C01  }
0x89: {  	[timem:s3], [sflag:s2] =	dma.local @!p0 [hbm:s0], s1  }
0x8a: {  	s0 =	simm.s32 @!p0 $0x1  }
0x8b: {  	_ =	swait.ge @!p0 [sflag:s0], s1  }
0x8c: {  	s1 =	ssub.s32 @!p0 $0x0, s1;
	[sflag:s0] =	ssyncset.done @!p0 $0x0  }
0x8d: {  	[sflag:s0] =	ssyncadd.s32 @!p0 s1  }
0x8e: {  	[bflag:$0x3] =	sbarrier.arrive $0xFFFF  }
0x8f: {  	_ =	shalt  }

</sc_bundles>
